<compile_context>
chip_gen: v7x
topology: tpu7x:2x2x1
jax: 0.10.2.dev20260603
libtpu: 0.0.44.dev20260713+nightly
codegen_flags: <defaults>
</compile_context>

<pallas_src>
import jax
import jax.numpy as jnp
from jax import lax
from jax.experimental import pallas as pl
from jax.experimental.pallas import tpu as pltpu
from jax.experimental.pallas import tpu_sc as plsc

_N = 262144
_C = 128
_P = _N // 8
_NC = 2
_NS = 16
_NW = _NC * _NS
_P_SC = 16896
_P_TC = _P - _P_SC
_PPW = _P_SC // _NW
_CHUNK_P = 16
_NCHUNK = _PPW // _CHUNK_P
_NBUF = 3
_ROWS = _CHUNK_P * 8
_LANES = 16
_TC_BR = 4096


def _worker(data_hbm, out_hbm, in0, in1, in2, ob0, ob1, ob2,
            is0, is1, is2, os0, os1, os2):
  wid = lax.axis_index("s") * _NC + lax.axis_index("c")
  row0 = wid * (_PPW * 8)
  par0 = wid * _PPW

  def in_desc(c, buf, sem):
    return pltpu.make_async_copy(
        data_hbm.at[pl.ds(row0 + c * _ROWS, _ROWS)], buf, sem)

  def out_desc(c, buf, sem):
    return pltpu.make_async_copy(
        buf, out_hbm.at[pl.ds(par0 + c * _CHUNK_P, _CHUNK_P)], sem)

  bufs = ((in0, is0, ob0, os0), (in1, is1, ob1, os1), (in2, is2, ob2, os2))

  for b in range(_NBUF):
    in_desc(b, bufs[b][0], bufs[b][1]).start()

  def step(g, carry):
    for b in range(_NBUF):
      inb, isem, outb, osem = bufs[b]
      c = g * _NBUF + b
      in_desc(c, inb, isem).wait()

      @pl.when(c >= _NBUF)
      def _():
        out_desc(c - _NBUF, outb, osem).wait()

      @plsc.parallel_loop(0, _CHUNK_P * (_C // _LANES), unroll=4)
      def _(i):
        p = i >> 3
        r0 = p * 8
        col = pl.ds((i & 7) * _LANES, _LANES)
        m01 = jnp.maximum(inb[r0 + 0, col], inb[r0 + 1, col])
        m23 = jnp.maximum(inb[r0 + 2, col], inb[r0 + 3, col])
        m45 = jnp.maximum(inb[r0 + 4, col], inb[r0 + 5, col])
        m67 = jnp.maximum(inb[r0 + 6, col], inb[r0 + 7, col])
        outb[p, col] = jnp.maximum(jnp.maximum(m01, m23),
                                   jnp.maximum(m45, m67))

      out_desc(c, outb, osem).start()

      @pl.when(c + _NBUF < _NCHUNK)
      def _():
        in_desc(c + _NBUF, inb, isem).start()
    return carry

  lax.fori_loop(0, _NCHUNK // _NBUF, step, 0)
  for b in range(_NBUF):
    out_desc(_NCHUNK - _NBUF + b, bufs[b][2], bufs[b][3]).wait()


def _tc_body(x_ref, o_ref):
  x = x_ref[...]
  o_ref[...] = jnp.max(x.reshape(_TC_BR // 8, 8, _C), axis=1)


@jax.jit
def _pool(data):
  sc = pl.kernel(
      _worker,
      out_type=jax.ShapeDtypeStruct((_P, _C), jnp.float32),
      mesh=plsc.VectorSubcoreMesh(core_axis_name="c", subcore_axis_name="s"),
      scratch_types=(
          [pltpu.VMEM((_ROWS, _C), jnp.float32)] * _NBUF
          + [pltpu.VMEM((_CHUNK_P, _C), jnp.float32)] * _NBUF
          + [pltpu.SemaphoreType.DMA] * (2 * _NBUF)
      ),
  )(data)

  tc_block_off = (_P_SC * 8) // _TC_BR
  tc = pl.pallas_call(
      _tc_body,
      grid=((_P_TC * 8) // _TC_BR,),
      in_specs=[pl.BlockSpec((_TC_BR, _C), lambda i: (i + tc_block_off, 0))],
      out_specs=pl.BlockSpec((_TC_BR // 8, _C), lambda i: (i, 0)),
      out_shape=jax.ShapeDtypeStruct((_P_TC, _C), jnp.float32),
  )(data)

  return jax.lax.dynamic_update_slice(sc, tc, (_P_SC, 0))


def kernel(data, octree):
  del octree
  return _pool(data)

# --- scband reference (transcript-rebuilt; emitter-appended) ---
"""Pipeline reference for scband-octree-max-pool-51677046505682 (READ-ONLY COPY).

The authoritative reference and input builder live on the scoring server;
editing this copy changes nothing except your own understanding.
"""

import jax, jax.numpy as jnp
import numpy as np

N = 262144  # nodes at depth 6 of a full octree (8^6)
C = 128

def setup_inputs(seed: int = 0) -> dict:
    key = jax.random.key(seed)
    data = jax.random.normal(key, (N, C), dtype=jnp.float32)
    # octree structure tensor: node index per element; siblings are contiguous groups of 8,
    # parent id = node_index // 8 (full-octree layout used by ocnn)
    octree = jnp.arange(N, dtype=jnp.int32)
    return {"data": data, "octree": octree}

def reference(data, octree):
    # octree_max_pool at depth d: max over each group of 8 sibling nodes -> parent node
    n = data.shape[0]
    parent_ids = octree // 8  # segment id for each node at depth `depth`
    pooled = jax.ops.segment_max(data, parent_ids, num_segments=n // 8)
    # ocnn.octree_pad(pool, octree, depth-1): for a full octree every parent node is
    # non-empty, so padding to the full node set at depth-1 is the identity.
    output = pooled
    return output

if __name__ == "__main__":
    import jax
    _d = setup_inputs()
    print(jax.jit(kernel)(*tuple(_d.values())))

</pallas_src>

<mosaic_0001>
#map = affine_map<(d0, d1) -> (0, 0)>
module attributes {stable_mosaic.version = 14 : i64} {
  func.func @_worker(%arg0: i32, %arg1: i32, %arg2: memref<262144x128xf32, #tpu.memory_space<hbm>>, %arg3: memref<32768x128xf32, #tpu.memory_space<hbm>>, %arg4: memref<128x128xf32, #tpu.memory_space<vmem>>, %arg5: memref<128x128xf32, #tpu.memory_space<vmem>>, %arg6: memref<128x128xf32, #tpu.memory_space<vmem>>, %arg7: memref<16x128xf32, #tpu.memory_space<vmem>>, %arg8: memref<16x128xf32, #tpu.memory_space<vmem>>, %arg9: memref<16x128xf32, #tpu.memory_space<vmem>>, %arg10: memref<!tpu.dma_semaphore, #tpu.memory_space<semaphore_mem>>, %arg11: memref<!tpu.dma_semaphore, #tpu.memory_space<semaphore_mem>>, %arg12: memref<!tpu.dma_semaphore, #tpu.memory_space<semaphore_mem>>, %arg13: memref<!tpu.dma_semaphore, #tpu.memory_space<semaphore_mem>>, %arg14: memref<!tpu.dma_semaphore, #tpu.memory_space<semaphore_mem>>, %arg15: memref<!tpu.dma_semaphore, #tpu.memory_space<semaphore_mem>>) attributes {dimension_semantics = [#tpu.dimension_semantics<core_parallel>, #tpu.dimension_semantics<subcore_parallel>], iteration_bounds = array<i64: 2, 16>, scalar_prefetch = 0 : i64, scratch_operands = 12 : i64, tpu.core_type = #tpu.core_type<sc_vector_subcore>, window_params = [{transform_indices = #map}, {transform_indices = #map}]} {
    %mul3A = arith.constant 2 : i32
    %mul3A_0 = arith.muli %arg1, %mul3A : i32
    %add3A = arith.addi %mul3A_0, %arg0 : i32
    %mul3A_1 = arith.constant 4224 : i32
    %mul3A_2 = arith.muli %add3A, %mul3A_1 : i32
    %mul3A_3 = arith.constant 528 : i32
    %mul3A_4 = arith.muli %add3A, %mul3A_3 : i32
    %add3A_5 = arith.constant 0 : i32
    %add3A_6 = arith.addi %mul3A_2, %add3A_5 : i32
    %dma_start3A = arith.constant 0 : i32
    %dma_start3A_7 = tpu.memref_slice %arg2[%add3A_6, %dma_start3A] : memref<262144x128xf32, #tpu.memory_space<hbm>> -> memref<128x128xf32, #tpu.memory_space<hbm>>
    %dma_start3A_8 = arith.constant 0 : i32
    %dma_start3A_9 = tpu.memref_slice %arg2[%add3A_6, %dma_start3A_8] : memref<262144x128xf32, #tpu.memory_space<hbm>> -> memref<128x128xf32, #tpu.memory_space<hbm>>
    tpu.enqueue_dma source(%dma_start3A_9 : memref<128x128xf32, #tpu.memory_space<hbm>>) target(%arg4 : memref<128x128xf32, #tpu.memory_space<vmem>>) target_semaphore(%arg10 : memref<!tpu.dma_semaphore, #tpu.memory_space<semaphore_mem>>)
    %add3A_10 = arith.constant 128 : i32
    %add3A_11 = arith.addi %mul3A_2, %add3A_10 : i32
    %dma_start3A_12 = arith.constant 0 : i32
    %dma_start3A_13 = tpu.memref_slice %arg2[%add3A_11, %dma_start3A_12] : memref<262144x128xf32, #tpu.memory_space<hbm>> -> memref<128x128xf32, #tpu.memory_space<hbm>>
    %dma_start3A_14 = arith.constant 0 : i32
    %dma_start3A_15 = tpu.memref_slice %arg2[%add3A_11, %dma_start3A_14] : memref<262144x128xf32, #tpu.memory_space<hbm>> -> memref<128x128xf32, #tpu.memory_space<hbm>>
    tpu.enqueue_dma source(%dma_start3A_15 : memref<128x128xf32, #tpu.memory_space<hbm>>) target(%arg5 : memref<128x128xf32, #tpu.memory_space<vmem>>) target_semaphore(%arg11 : memref<!tpu.dma_semaphore, #tpu.memory_space<semaphore_mem>>)
    %add3A_16 = arith.constant 256 : i32
    %add3A_17 = arith.addi %mul3A_2, %add3A_16 : i32
    %dma_start3A_18 = arith.constant 0 : i32
    %dma_start3A_19 = tpu.memref_slice %arg2[%add3A_17, %dma_start3A_18] : memref<262144x128xf32, #tpu.memory_space<hbm>> -> memref<128x128xf32, #tpu.memory_space<hbm>>
    %dma_start3A_20 = arith.constant 0 : i32
    %dma_start3A_21 = tpu.memref_slice %arg2[%add3A_17, %dma_start3A_20] : memref<262144x128xf32, #tpu.memory_space<hbm>> -> memref<128x128xf32, #tpu.memory_space<hbm>>
    tpu.enqueue_dma source(%dma_start3A_21 : memref<128x128xf32, #tpu.memory_space<hbm>>) target(%arg6 : memref<128x128xf32, #tpu.memory_space<vmem>>) target_semaphore(%arg12 : memref<!tpu.dma_semaphore, #tpu.memory_space<semaphore_mem>>)
    %scan3A = arith.constant 0 : i32
    %scan3A_22 = arith.constant 0 : i32
    %scan3A_23 = arith.constant 11 : i32
    %scan3A_24 = arith.addi %scan3A_22, %scan3A_23 : i32
    %scan3A_25 = arith.constant 1 : i32
    scf.for %scan3A_44 = %scan3A_22 to %scan3A_24 step %scan3A_25  : i32 {
      %mul3A_45 = arith.constant 3 : i32
      %mul3A_46 = arith.muli %scan3A_44, %mul3A_45 : i32
      %add3A_47 = arith.constant 0 : i32
      %add3A_48 = arith.addi %mul3A_46, %add3A_47 : i32
      %mul3A_49 = arith.constant 128 : i32
      %mul3A_50 = arith.muli %add3A_48, %mul3A_49 : i32
      %add3A_51 = arith.addi %mul3A_2, %mul3A_50 : i32
      %dma_wait3A_52 = arith.constant 0 : i32
      %dma_wait3A_53 = tpu.memref_slice %arg2[%add3A_51, %dma_wait3A_52] : memref<262144x128xf32, #tpu.memory_space<hbm>> -> memref<128x128xf32, #tpu.memory_space<hbm>>
      %dma_wait3A_54 = arith.constant 0 : i32
      %dma_wait3A_55 = tpu.memref_slice %arg2[%add3A_51, %dma_wait3A_54] : memref<262144x128xf32, #tpu.memory_space<hbm>> -> memref<128x128xf32, #tpu.memory_space<hbm>>
      tpu.wait_dma2 semaphore(%arg10 : memref<!tpu.dma_semaphore, #tpu.memory_space<semaphore_mem>>) src(%dma_wait3A_55 : memref<128x128xf32, #tpu.memory_space<hbm>>) dst(%arg4 : memref<128x128xf32, #tpu.memory_space<vmem>>)
      %ge3A = arith.constant 3 : i32
      %ge3A_56 = arith.cmpi sge, %add3A_48, %ge3A : i32
      %convert_element_type3A = arith.extui %ge3A_56 : i1 to i32
      %cond3A = arith.constant 0 : i32
      %cond3A_57 = arith.cmpi ne, %convert_element_type3A, %cond3A : i32
      scf.if %cond3A_57 {
        %sub3A = arith.constant 3 : i32
        %sub3A_139 = arith.subi %add3A_48, %sub3A : i32
        %mul3A_140 = arith.constant 16 : i32
        %mul3A_141 = arith.muli %sub3A_139, %mul3A_140 : i32
        %add3A_142 = arith.addi %mul3A_4, %mul3A_141 : i32
        %dma_wait3A_143 = arith.constant 0 : i32
        %dma_wait3A_144 = tpu.memref_slice %arg3[%add3A_142, %dma_wait3A_143] : memref<32768x128xf32, #tpu.memory_space<hbm>> -> memref<16x128xf32, #tpu.memory_space<hbm>>
        %dma_wait3A_145 = arith.constant 0 : i32
        %dma_wait3A_146 = tpu.memref_slice %arg3[%add3A_142, %dma_wait3A_145] : memref<32768x128xf32, #tpu.memory_space<hbm>> -> memref<16x128xf32, #tpu.memory_space<hbm>>
        tpu.wait_dma2 semaphore(%arg13 : memref<!tpu.dma_semaphore, #tpu.memory_space<semaphore_mem>>) src(%arg7 : memref<16x128xf32, #tpu.memory_space<vmem>>) dst(%dma_wait3A_146 : memref<16x128xf32, #tpu.memory_space<hbm>>)
      } else {
      }
      %parallel_loop3A = arith.constant 0 : i32
      %parallel_loop3A_58 = arith.constant 128 : i32
      %parallel_loop3A_59 = arith.constant 1 : i32
      scf.for %parallel_loop3A_139 = %parallel_loop3A to %parallel_loop3A_58 step %parallel_loop3A_59  : i32 {
        %parallel_loop3A_140 = arith.constant 3 : i32
        %parallel_loop3A_141 = arith.shrsi %parallel_loop3A_139, %parallel_loop3A_140 : i32
        %parallel_loop3A_142 = arith.constant 8 : i32
        %parallel_loop3A_143 = arith.muli %parallel_loop3A_141, %parallel_loop3A_142 : i32
        %parallel_loop3A_144 = arith.constant 7 : i32
        %parallel_loop3A_145 = arith.andi %parallel_loop3A_139, %parallel_loop3A_144 : i32
        %parallel_loop3A_146 = arith.constant 16 : i32
        %parallel_loop3A_147 = arith.muli %parallel_loop3A_145, %parallel_loop3A_146 : i32
        %parallel_loop3A_148 = arith.constant 0 : i32
        %parallel_loop3A_149 = arith.addi %parallel_loop3A_143, %parallel_loop3A_148 : i32
        %parallel_loop3A_150 = arith.index_cast %parallel_loop3A_149 : i32 to index
        %parallel_loop3A_151 = arith.index_cast %parallel_loop3A_147 : i32 to index
        %parallel_loop3A_152 = tpu.vector_load %arg4[%parallel_loop3A_150, %parallel_loop3A_151] {strides = array<i32>} : memref<128x128xf32, #tpu.memory_space<vmem>>, vector<1x16xf32>,
        %parallel_loop3A_153 = vector.shape_cast %parallel_loop3A_152 : vector<1x16xf32> to vector<16xf32>
        %parallel_loop3A_154 = arith.constant 1 : i32
        %parallel_loop3A_155 = arith.addi %parallel_loop3A_143, %parallel_loop3A_154 : i32
        %parallel_loop3A_156 = arith.index_cast %parallel_loop3A_155 : i32 to index
        %parallel_loop3A_157 = arith.index_cast %parallel_loop3A_147 : i32 to index
        %parallel_loop3A_158 = tpu.vector_load %arg4[%parallel_loop3A_156, %parallel_loop3A_157] {strides = array<i32>} : memref<128x128xf32, #tpu.memory_space<vmem>>, vector<1x16xf32>,
        %parallel_loop3A_159 = vector.shape_cast %parallel_loop3A_158 : vector<1x16xf32> to vector<16xf32>
        %parallel_loop3A_160 = arith.maximumf %parallel_loop3A_153, %parallel_loop3A_159 : vector<16xf32>
        %parallel_loop3A_161 = arith.constant 2 : i32
        %parallel_loop3A_162 = arith.addi %parallel_loop3A_143, %parallel_loop3A_161 : i32
        %parallel_loop3A_163 = arith.index_cast %parallel_loop3A_162 : i32 to index
        %parallel_loop3A_164 = arith.index_cast %parallel_loop3A_147 : i32 to index
        %parallel_loop3A_165 = tpu.vector_load %arg4[%parallel_loop3A_163, %parallel_loop3A_164] {strides = array<i32>} : memref<128x128xf32, #tpu.memory_space<vmem>>, vector<1x16xf32>,
        %parallel_loop3A_166 = vector.shape_cast %parallel_loop3A_165 : vector<1x16xf32> to vector<16xf32>
        %parallel_loop3A_167 = arith.constant 3 : i32
        %parallel_loop3A_168 = arith.addi %parallel_loop3A_143, %parallel_loop3A_167 : i32
        %parallel_loop3A_169 = arith.index_cast %parallel_loop3A_168 : i32 to index
        %parallel_loop3A_170 = arith.index_cast %parallel_loop3A_147 : i32 to index
        %parallel_loop3A_171 = tpu.vector_load %arg4[%parallel_loop3A_169, %parallel_loop3A_170] {strides = array<i32>} : memref<128x128xf32, #tpu.memory_space<vmem>>, vector<1x16xf32>,
        %parallel_loop3A_172 = vector.shape_cast %parallel_loop3A_171 : vector<1x16xf32> to vector<16xf32>
        %parallel_loop3A_173 = arith.maximumf %parallel_loop3A_166, %parallel_loop3A_172 : vector<16xf32>
        %parallel_loop3A_174 = arith.constant 4 : i32
        %parallel_loop3A_175 = arith.addi %parallel_loop3A_143, %parallel_loop3A_174 : i32
        %parallel_loop3A_176 = arith.index_cast %parallel_loop3A_175 : i32 to index
        %parallel_loop3A_177 = arith.index_cast %parallel_loop3A_147 : i32 to index
        %parallel_loop3A_178 = tpu.vector_load %arg4[%parallel_loop3A_176, %parallel_loop3A_177] {strides = array<i32>} : memref<128x128xf32, #tpu.memory_space<vmem>>, vector<1x16xf32>,
        %parallel_loop3A_179 = vector.shape_cast %parallel_loop3A_178 : vector<1x16xf32> to vector<16xf32>
        %parallel_loop3A_180 = arith.constant 5 : i32
        %parallel_loop3A_181 = arith.addi %parallel_loop3A_143, %parallel_loop3A_180 : i32
        %parallel_loop3A_182 = arith.index_cast %parallel_loop3A_181 : i32 to index
        %parallel_loop3A_183 = arith.index_cast %parallel_loop3A_147 : i32 to index
        %parallel_loop3A_184 = tpu.vector_load %arg4[%parallel_loop3A_182, %parallel_loop3A_183] {strides = array<i32>} : memref<128x128xf32, #tpu.memory_space<vmem>>, vector<1x16xf32>,
        %parallel_loop3A_185 = vector.shape_cast %parallel_loop3A_184 : vector<1x16xf32> to vector<16xf32>
        %parallel_loop3A_186 = arith.maximumf %parallel_loop3A_179, %parallel_loop3A_185 : vector<16xf32>
        %parallel_loop3A_187 = arith.constant 6 : i32
        %parallel_loop3A_188 = arith.addi %parallel_loop3A_143, %parallel_loop3A_187 : i32
        %parallel_loop3A_189 = arith.index_cast %parallel_loop3A_188 : i32 to index
        %parallel_loop3A_190 = arith.index_cast %parallel_loop3A_147 : i32 to index
        %parallel_loop3A_191 = tpu.vector_load %arg4[%parallel_loop3A_189, %parallel_loop3A_190] {strides = array<i32>} : memref<128x128xf32, #tpu.memory_space<vmem>>, vector<1x16xf32>,
        %parallel_loop3A_192 = vector.shape_cast %parallel_loop3A_191 : vector<1x16xf32> to vector<16xf32>
        %parallel_loop3A_193 = arith.constant 7 : i32
        %parallel_loop3A_194 = arith.addi %parallel_loop3A_143, %parallel_loop3A_193 : i32
        %parallel_loop3A_195 = arith.index_cast %parallel_loop3A_194 : i32 to index
        %parallel_loop3A_196 = arith.index_cast %parallel_loop3A_147 : i32 to index
        %parallel_loop3A_197 = tpu.vector_load %arg4[%parallel_loop3A_195, %parallel_loop3A_196] {strides = array<i32>} : memref<128x128xf32, #tpu.memory_space<vmem>>, vector<1x16xf32>,
        %parallel_loop3A_198 = vector.shape_cast %parallel_loop3A_197 : vector<1x16xf32> to vector<16xf32>
        %parallel_loop3A_199 = arith.maximumf %parallel_loop3A_192, %parallel_loop3A_198 : vector<16xf32>
        %parallel_loop3A_200 = arith.maximumf %parallel_loop3A_160, %parallel_loop3A_173 : vector<16xf32>
        %parallel_loop3A_201 = arith.maximumf %parallel_loop3A_186, %parallel_loop3A_199 : vector<16xf32>
        %parallel_loop3A_202 = arith.maximumf %parallel_loop3A_200, %parallel_loop3A_201 : vector<16xf32>
        %parallel_loop3A_203 = arith.index_cast %parallel_loop3A_141 : i32 to index
        %parallel_loop3A_204 = arith.index_cast %parallel_loop3A_147 : i32 to index
        %parallel_loop3A_205 = tpu.vector_load %arg7[%parallel_loop3A_203, %parallel_loop3A_204] {strides = array<i32>} : memref<16x128xf32, #tpu.memory_space<vmem>>, vector<1x16xf32>,
        %parallel_loop3A_206 = vector.shape_cast %parallel_loop3A_205 : vector<1x16xf32> to vector<16xf32>
        %parallel_loop3A_207 = vector.shape_cast %parallel_loop3A_202 : vector<16xf32> to vector<1x16xf32>
        tpu.vector_store %arg7[%parallel_loop3A_203, %parallel_loop3A_204], %parallel_loop3A_207 {strides = array<i32>} : memref<16x128xf32, #tpu.memory_space<vmem>>, vector<1x16xf32>,
      } {sc.loop_unroll_factor = 4 : i64, sc.parallel_access}
      %mul3A_60 = arith.constant 16 : i32
      %mul3A_61 = arith.muli %add3A_48, %mul3A_60 : i32
      %add3A_62 = arith.addi %mul3A_4, %mul3A_61 : i32
      %dma_start3A_63 = arith.constant 0 : i32
      %dma_start3A_64 = tpu.memref_slice %arg3[%add3A_62, %dma_start3A_63] : memref<32768x128xf32, #tpu.memory_space<hbm>> -> memref<16x128xf32, #tpu.memory_space<hbm>>
      %dma_start3A_65 = arith.constant 0 : i32
      %dma_start3A_66 = tpu.memref_slice %arg3[%add3A_62, %dma_start3A_65] : memref<32768x128xf32, #tpu.memory_space<hbm>> -> memref<16x128xf32, #tpu.memory_space<hbm>>
      tpu.enqueue_dma source(%arg7 : memref<16x128xf32, #tpu.memory_space<vmem>>) target(%dma_start3A_66 : memref<16x128xf32, #tpu.memory_space<hbm>>) target_semaphore(%arg13 : memref<!tpu.dma_semaphore, #tpu.memory_space<semaphore_mem>>)
      %add3A_67 = arith.constant 3 : i32
      %add3A_68 = arith.addi %add3A_48, %add3A_67 : i32
      %lt3A = arith.constant 33 : i32
      %lt3A_69 = arith.cmpi slt, %add3A_68, %lt3A : i32
      %convert_element_type3A_70 = arith.extui %lt3A_69 : i1 to i32
      %cond3A_71 = arith.constant 0 : i32
      %cond3A_72 = arith.cmpi ne, %convert_element_type3A_70, %cond3A_71 : i32
      scf.if %cond3A_72 {
        %add3A_139 = arith.constant 3 : i32
        %add3A_140 = arith.addi %add3A_48, %add3A_139 : i32
        %mul3A_141 = arith.constant 128 : i32
        %mul3A_142 = arith.muli %add3A_140, %mul3A_141 : i32
        %add3A_143 = arith.addi %mul3A_2, %mul3A_142 : i32
        %dma_start3A_144 = arith.constant 0 : i32
        %dma_start3A_145 = tpu.memref_slice %arg2[%add3A_143, %dma_start3A_144] : memref<262144x128xf32, #tpu.memory_space<hbm>> -> memref<128x128xf32, #tpu.memory_space<hbm>>
        %dma_start3A_146 = arith.constant 0 : i32
        %dma_start3A_147 = tpu.memref_slice %arg2[%add3A_143, %dma_start3A_146] : memref<262144x128xf32, #tpu.memory_space<hbm>> -> memref<128x128xf32, #tpu.memory_space<hbm>>
        tpu.enqueue_dma source(%dma_start3A_147 : memref<128x128xf32, #tpu.memory_space<hbm>>) target(%arg4 : memref<128x128xf32, #tpu.memory_space<vmem>>) target_semaphore(%arg10 : memref<!tpu.dma_semaphore, #tpu.memory_space<semaphore_mem>>)
      } else {
      }
      %mul3A_73 = arith.constant 3 : i32
      %mul3A_74 = arith.muli %scan3A_44, %mul3A_73 : i32
      %add3A_75 = arith.constant 1 : i32
      %add3A_76 = arith.addi %mul3A_74, %add3A_75 : i32
      %mul3A_77 = arith.constant 128 : i32
      %mul3A_78 = arith.muli %add3A_76, %mul3A_77 : i32
      %add3A_79 = arith.addi %mul3A_2, %mul3A_78 : i32
      %dma_wait3A_80 = arith.constant 0 : i32
      %dma_wait3A_81 = tpu.memref_slice %arg2[%add3A_79, %dma_wait3A_80] : memref<262144x128xf32, #tpu.memory_space<hbm>> -> memref<128x128xf32, #tpu.memory_space<hbm>>
      %dma_wait3A_82 = arith.constant 0 : i32
      %dma_wait3A_83 = tpu.memref_slice %arg2[%add3A_79, %dma_wait3A_82] : memref<262144x128xf32, #tpu.memory_space<hbm>> -> memref<128x128xf32, #tpu.memory_space<hbm>>
      tpu.wait_dma2 semaphore(%arg11 : memref<!tpu.dma_semaphore, #tpu.memory_space<semaphore_mem>>) src(%dma_wait3A_83 : memref<128x128xf32, #tpu.memory_space<hbm>>) dst(%arg5 : memref<128x128xf32, #tpu.memory_space<vmem>>)
      %ge3A_84 = arith.constant 3 : i32
      %ge3A_85 = arith.cmpi sge, %add3A_76, %ge3A_84 : i32
      %convert_element_type3A_86 = arith.extui %ge3A_85 : i1 to i32
      %cond3A_87 = arith.constant 0 : i32
      %cond3A_88 = arith.cmpi ne, %convert_element_type3A_86, %cond3A_87 : i32
      scf.if %cond3A_88 {
        %sub3A = arith.constant 3 : i32
        %sub3A_139 = arith.subi %add3A_76, %sub3A : i32
        %mul3A_140 = arith.constant 16 : i32
        %mul3A_141 = arith.muli %sub3A_139, %mul3A_140 : i32
        %add3A_142 = arith.addi %mul3A_4, %mul3A_141 : i32
        %dma_wait3A_143 = arith.constant 0 : i32
        %dma_wait3A_144 = tpu.memref_slice %arg3[%add3A_142, %dma_wait3A_143] : memref<32768x128xf32, #tpu.memory_space<hbm>> -> memref<16x128xf32, #tpu.memory_space<hbm>>
        %dma_wait3A_145 = arith.constant 0 : i32
        %dma_wait3A_146 = tpu.memref_slice %arg3[%add3A_142, %dma_wait3A_145] : memref<32768x128xf32, #tpu.memory_space<hbm>> -> memref<16x128xf32, #tpu.memory_space<hbm>>
        tpu.wait_dma2 semaphore(%arg14 : memref<!tpu.dma_semaphore, #tpu.memory_space<semaphore_mem>>) src(%arg8 : memref<16x128xf32, #tpu.memory_space<vmem>>) dst(%dma_wait3A_146 : memref<16x128xf32, #tpu.memory_space<hbm>>)
      } else {
      }
      %parallel_loop3A_89 = arith.constant 0 : i32
      %parallel_loop3A_90 = arith.constant 128 : i32
      %parallel_loop3A_91 = arith.constant 1 : i32
      scf.for %parallel_loop3A_139 = %parallel_loop3A_89 to %parallel_loop3A_90 step %parallel_loop3A_91  : i32 {
        %parallel_loop3A_140 = arith.constant 3 : i32
        %parallel_loop3A_141 = arith.shrsi %parallel_loop3A_139, %parallel_loop3A_140 : i32
        %parallel_loop3A_142 = arith.constant 8 : i32
        %parallel_loop3A_143 = arith.muli %parallel_loop3A_141, %parallel_loop3A_142 : i32
        %parallel_loop3A_144 = arith.constant 7 : i32
        %parallel_loop3A_145 = arith.andi %parallel_loop3A_139, %parallel_loop3A_144 : i32
        %parallel_loop3A_146 = arith.constant 16 : i32
        %parallel_loop3A_147 = arith.muli %parallel_loop3A_145, %parallel_loop3A_146 : i32
        %parallel_loop3A_148 = arith.constant 0 : i32
        %parallel_loop3A_149 = arith.addi %parallel_loop3A_143, %parallel_loop3A_148 : i32
        %parallel_loop3A_150 = arith.index_cast %parallel_loop3A_149 : i32 to index
        %parallel_loop3A_151 = arith.index_cast %parallel_loop3A_147 : i32 to index
        %parallel_loop3A_152 = tpu.vector_load %arg5[%parallel_loop3A_150, %parallel_loop3A_151] {strides = array<i32>} : memref<128x128xf32, #tpu.memory_space<vmem>>, vector<1x16xf32>,
        %parallel_loop3A_153 = vector.shape_cast %parallel_loop3A_152 : vector<1x16xf32> to vector<16xf32>
        %parallel_loop3A_154 = arith.constant 1 : i32
        %parallel_loop3A_155 = arith.addi %parallel_loop3A_143, %parallel_loop3A_154 : i32
        %parallel_loop3A_156 = arith.index_cast %parallel_loop3A_155 : i32 to index
        %parallel_loop3A_157 = arith.index_cast %parallel_loop3A_147 : i32 to index
        %parallel_loop3A_158 = tpu.vector_load %arg5[%parallel_loop3A_156, %parallel_loop3A_157] {strides = array<i32>} : memref<128x128xf32, #tpu.memory_space<vmem>>, vector<1x16xf32>,
        %parallel_loop3A_159 = vector.shape_cast %parallel_loop3A_158 : vector<1x16xf32> to vector<16xf32>
        %parallel_loop3A_160 = arith.maximumf %parallel_loop3A_153, %parallel_loop3A_159 : vector<16xf32>
        %parallel_loop3A_161 = arith.constant 2 : i32
        %parallel_loop3A_162 = arith.addi %parallel_loop3A_143, %parallel_loop3A_161 : i32
        %parallel_loop3A_163 = arith.index_cast %parallel_loop3A_162 : i32 to index
        %parallel_loop3A_164 = arith.index_cast %parallel_loop3A_147 : i32 to index
        %parallel_loop3A_165 = tpu.vector_load %arg5[%parallel_loop3A_163, %parallel_loop3A_164] {strides = array<i32>} : memref<128x128xf32, #tpu.memory_space<vmem>>, vector<1x16xf32>,
        %parallel_loop3A_166 = vector.shape_cast %parallel_loop3A_165 : vector<1x16xf32> to vector<16xf32>
        %parallel_loop3A_167 = arith.constant 3 : i32
        %parallel_loop3A_168 = arith.addi %parallel_loop3A_143, %parallel_loop3A_167 : i32
        %parallel_loop3A_169 = arith.index_cast %parallel_loop3A_168 : i32 to index
        %parallel_loop3A_170 = arith.index_cast %parallel_loop3A_147 : i32 to index
        %parallel_loop3A_171 = tpu.vector_load %arg5[%parallel_loop3A_169, %parallel_loop3A_170] {strides = array<i32>} : memref<128x128xf32, #tpu.memory_space<vmem>>, vector<1x16xf32>,
        %parallel_loop3A_172 = vector.shape_cast %parallel_loop3A_171 : vector<1x16xf32> to vector<16xf32>
        %parallel_loop3A_173 = arith.maximumf %parallel_loop3A_166, %parallel_loop3A_172 : vector<16xf32>
        %parallel_loop3A_174 = arith.constant 4 : i32
        %parallel_loop3A_175 = arith.addi %parallel_loop3A_143, %parallel_loop3A_174 : i32
        %parallel_loop3A_176 = arith.index_cast %parallel_loop3A_175 : i32 to index
        %parallel_loop3A_177 = arith.index_cast %parallel_loop3A_147 : i32 to index
        %parallel_loop3A_178 = tpu.vector_load %arg5[%parallel_loop3A_176, %parallel_loop3A_177] {strides = array<i32>} : memref<128x128xf32, #tpu.memory_space<vmem>>, vector<1x16xf32>,
        %parallel_loop3A_179 = vector.shape_cast %parallel_loop3A_178 : vector<1x16xf32> to vector<16xf32>
        %parallel_loop3A_180 = arith.constant 5 : i32
        %parallel_loop3A_181 = arith.addi %parallel_loop3A_143, %parallel_loop3A_180 : i32
        %parallel_loop3A_182 = arith.index_cast %parallel_loop3A_181 : i32 to index
        %parallel_loop3A_183 = arith.index_cast %parallel_loop3A_147 : i32 to index
        %parallel_loop3A_184 = tpu.vector_load %arg5[%parallel_loop3A_182, %parallel_loop3A_183] {strides = array<i32>} : memref<128x128xf32, #tpu.memory_space<vmem>>, vector<1x16xf32>,
        %parallel_loop3A_185 = vector.shape_cast %parallel_loop3A_184 : vector<1x16xf32> to vector<16xf32>
        %parallel_loop3A_186 = arith.maximumf %parallel_loop3A_179, %parallel_loop3A_185 : vector<16xf32>
        %parallel_loop3A_187 = arith.constant 6 : i32
        %parallel_loop3A_188 = arith.addi %parallel_loop3A_143, %parallel_loop3A_187 : i32
        %parallel_loop3A_189 = arith.index_cast %parallel_loop3A_188 : i32 to index
        %parallel_loop3A_190 = arith.index_cast %parallel_loop3A_147 : i32 to index
        %parallel_loop3A_191 = tpu.vector_load %arg5[%parallel_loop3A_189, %parallel_loop3A_190] {strides = array<i32>} : memref<128x128xf32, #tpu.memory_space<vmem>>, vector<1x16xf32>,
        %parallel_loop3A_192 = vector.shape_cast %parallel_loop3A_191 : vector<1x16xf32> to vector<16xf32>
        %parallel_loop3A_193 = arith.constant 7 : i32
        %parallel_loop3A_194 = arith.addi %parallel_loop3A_143, %parallel_loop3A_193 : i32
        %parallel_loop3A_195 = arith.index_cast %parallel_loop3A_194 : i32 to index
        %parallel_loop3A_196 = arith.index_cast %parallel_loop3A_147 : i32 to index
        %parallel_loop3A_197 = tpu.vector_load %arg5[%parallel_loop3A_195, %parallel_loop3A_196] {strides = array<i32>} : memref<128x128xf32, #tpu.memory_space<vmem>>, vector<1x16xf32>,
        %parallel_loop3A_198 = vector.shape_cast %parallel_loop3A_197 : vector<1x16xf32> to vector<16xf32>
        %parallel_loop3A_199 = arith.maximumf %parallel_loop3A_192, %parallel_loop3A_198 : vector<16xf32>
        %parallel_loop3A_200 = arith.maximumf %parallel_loop3A_160, %parallel_loop3A_173 : vector<16xf32>
        %parallel_loop3A_201 = arith.maximumf %parallel_loop3A_186, %parallel_loop3A_199 : vector<16xf32>
        %parallel_loop3A_202 = arith.maximumf %parallel_loop3A_200, %parallel_loop3A_201 : vector<16xf32>
        %parallel_loop3A_203 = arith.index_cast %parallel_loop3A_141 : i32 to index
        %parallel_loop3A_204 = arith.index_cast %parallel_loop3A_147 : i32 to index
        %parallel_loop3A_205 = tpu.vector_load %arg8[%parallel_loop3A_203, %parallel_loop3A_204] {strides = array<i32>} : memref<16x128xf32, #tpu.memory_space<vmem>>, vector<1x16xf32>,
        %parallel_loop3A_206 = vector.shape_cast %parallel_loop3A_205 : vector<1x16xf32> to vector<16xf32>
        %parallel_loop3A_207 = vector.shape_cast %parallel_loop3A_202 : vector<16xf32> to vector<1x16xf32>
        tpu.vector_store %arg8[%parallel_loop3A_203, %parallel_loop3A_204], %parallel_loop3A_207 {strides = array<i32>} : memref<16x128xf32, #tpu.memory_space<vmem>>, vector<1x16xf32>,
      } {sc.loop_unroll_factor = 4 : i64, sc.parallel_access}
      %mul3A_92 = arith.constant 16 : i32
      %mul3A_93 = arith.muli %add3A_76, %mul3A_92 : i32
      %add3A_94 = arith.addi %mul3A_4, %mul3A_93 : i32
      %dma_start3A_95 = arith.constant 0 : i32
      %dma_start3A_96 = tpu.memref_slice %arg3[%add3A_94, %dma_start3A_95] : memref<32768x128xf32, #tpu.memory_space<hbm>> -> memref<16x128xf32, #tpu.memory_space<hbm>>
      %dma_start3A_97 = arith.constant 0 : i32
      %dma_start3A_98 = tpu.memref_slice %arg3[%add3A_94, %dma_start3A_97] : memref<32768x128xf32, #tpu.memory_space<hbm>> -> memref<16x128xf32, #tpu.memory_space<hbm>>
      tpu.enqueue_dma source(%arg8 : memref<16x128xf32, #tpu.memory_space<vmem>>) target(%dma_start3A_98 : memref<16x128xf32, #tpu.memory_space<hbm>>) target_semaphore(%arg14 : memref<!tpu.dma_semaphore, #tpu.memory_space<semaphore_mem>>)
      %add3A_99 = arith.constant 3 : i32
      %add3A_100 = arith.addi %add3A_76, %add3A_99 : i32
      %lt3A_101 = arith.constant 33 : i32
      %lt3A_102 = arith.cmpi slt, %add3A_100, %lt3A_101 : i32
      %convert_element_type3A_103 = arith.extui %lt3A_102 : i1 to i32
      %cond3A_104 = arith.constant 0 : i32
      %cond3A_105 = arith.cmpi ne, %convert_element_type3A_103, %cond3A_104 : i32
      scf.if %cond3A_105 {
        %add3A_139 = arith.constant 3 : i32
        %add3A_140 = arith.addi %add3A_76, %add3A_139 : i32
        %mul3A_141 = arith.constant 128 : i32
        %mul3A_142 = arith.muli %add3A_140, %mul3A_141 : i32
        %add3A_143 = arith.addi %mul3A_2, %mul3A_142 : i32
        %dma_start3A_144 = arith.constant 0 : i32
        %dma_start3A_145 = tpu.memref_slice %arg2[%add3A_143, %dma_start3A_144] : memref<262144x128xf32, #tpu.memory_space<hbm>> -> memref<128x128xf32, #tpu.memory_space<hbm>>
        %dma_start3A_146 = arith.constant 0 : i32
        %dma_start3A_147 = tpu.memref_slice %arg2[%add3A_143, %dma_start3A_146] : memref<262144x128xf32, #tpu.memory_space<hbm>> -> memref<128x128xf32, #tpu.memory_space<hbm>>
        tpu.enqueue_dma source(%dma_start3A_147 : memref<128x128xf32, #tpu.memory_space<hbm>>) target(%arg5 : memref<128x128xf32, #tpu.memory_space<vmem>>) target_semaphore(%arg11 : memref<!tpu.dma_semaphore, #tpu.memory_space<semaphore_mem>>)
      } else {
      }
      %mul3A_106 = arith.constant 3 : i32
      %mul3A_107 = arith.muli %scan3A_44, %mul3A_106 : i32
      %add3A_108 = arith.constant 2 : i32
      %add3A_109 = arith.addi %mul3A_107, %add3A_108 : i32
      %mul3A_110 = arith.constant 128 : i32
      %mul3A_111 = arith.muli %add3A_109, %mul3A_110 : i32
      %add3A_112 = arith.addi %mul3A_2, %mul3A_111 : i32
      %dma_wait3A_113 = arith.constant 0 : i32
      %dma_wait3A_114 = tpu.memref_slice %arg2[%add3A_112, %dma_wait3A_113] : memref<262144x128xf32, #tpu.memory_space<hbm>> -> memref<128x128xf32, #tpu.memory_space<hbm>>
      %dma_wait3A_115 = arith.constant 0 : i32
      %dma_wait3A_116 = tpu.memref_slice %arg2[%add3A_112, %dma_wait3A_115] : memref<262144x128xf32, #tpu.memory_space<hbm>> -> memref<128x128xf32, #tpu.memory_space<hbm>>
      tpu.wait_dma2 semaphore(%arg12 : memref<!tpu.dma_semaphore, #tpu.memory_space<semaphore_mem>>) src(%dma_wait3A_116 : memref<128x128xf32, #tpu.memory_space<hbm>>) dst(%arg6 : memref<128x128xf32, #tpu.memory_space<vmem>>)
      %ge3A_117 = arith.constant 3 : i32
      %ge3A_118 = arith.cmpi sge, %add3A_109, %ge3A_117 : i32
      %convert_element_type3A_119 = arith.extui %ge3A_118 : i1 to i32
      %cond3A_120 = arith.constant 0 : i32
      %cond3A_121 = arith.cmpi ne, %convert_element_type3A_119, %cond3A_120 : i32
      scf.if %cond3A_121 {
        %sub3A = arith.constant 3 : i32
        %sub3A_139 = arith.subi %add3A_109, %sub3A : i32
        %mul3A_140 = arith.constant 16 : i32
        %mul3A_141 = arith.muli %sub3A_139, %mul3A_140 : i32
        %add3A_142 = arith.addi %mul3A_4, %mul3A_141 : i32
        %dma_wait3A_143 = arith.constant 0 : i32
        %dma_wait3A_144 = tpu.memref_slice %arg3[%add3A_142, %dma_wait3A_143] : memref<32768x128xf32, #tpu.memory_space<hbm>> -> memref<16x128xf32, #tpu.memory_space<hbm>>
        %dma_wait3A_145 = arith.constant 0 : i32
        %dma_wait3A_146 = tpu.memref_slice %arg3[%add3A_142, %dma_wait3A_145] : memref<32768x128xf32, #tpu.memory_space<hbm>> -> memref<16x128xf32, #tpu.memory_space<hbm>>
        tpu.wait_dma2 semaphore(%arg15 : memref<!tpu.dma_semaphore, #tpu.memory_space<semaphore_mem>>) src(%arg9 : memref<16x128xf32, #tpu.memory_space<vmem>>) dst(%dma_wait3A_146 : memref<16x128xf32, #tpu.memory_space<hbm>>)
      } else {
      }
      %parallel_loop3A_122 = arith.constant 0 : i32
      %parallel_loop3A_123 = arith.constant 128 : i32
      %parallel_loop3A_124 = arith.constant 1 : i32
      scf.for %parallel_loop3A_139 = %parallel_loop3A_122 to %parallel_loop3A_123 step %parallel_loop3A_124  : i32 {
        %parallel_loop3A_140 = arith.constant 3 : i32
        %parallel_loop3A_141 = arith.shrsi %parallel_loop3A_139, %parallel_loop3A_140 : i32
        %parallel_loop3A_142 = arith.constant 8 : i32
        %parallel_loop3A_143 = arith.muli %parallel_loop3A_141, %parallel_loop3A_142 : i32
        %parallel_loop3A_144 = arith.constant 7 : i32
        %parallel_loop3A_145 = arith.andi %parallel_loop3A_139, %parallel_loop3A_144 : i32
        %parallel_loop3A_146 = arith.constant 16 : i32
        %parallel_loop3A_147 = arith.muli %parallel_loop3A_145, %parallel_loop3A_146 : i32
        %parallel_loop3A_148 = arith.constant 0 : i32
        %parallel_loop3A_149 = arith.addi %parallel_loop3A_143, %parallel_loop3A_148 : i32
        %parallel_loop3A_150 = arith.index_cast %parallel_loop3A_149 : i32 to index
        %parallel_loop3A_151 = arith.index_cast %parallel_loop3A_147 : i32 to index
        %parallel_loop3A_152 = tpu.vector_load %arg6[%parallel_loop3A_150, %parallel_loop3A_151] {strides = array<i32>} : memref<128x128xf32, #tpu.memory_space<vmem>>, vector<1x16xf32>,
        %parallel_loop3A_153 = vector.shape_cast %parallel_loop3A_152 : vector<1x16xf32> to vector<16xf32>
        %parallel_loop3A_154 = arith.constant 1 : i32
        %parallel_loop3A_155 = arith.addi %parallel_loop3A_143, %parallel_loop3A_154 : i32
        %parallel_loop3A_156 = arith.index_cast %parallel_loop3A_155 : i32 to index
        %parallel_loop3A_157 = arith.index_cast %parallel_loop3A_147 : i32 to index
        %parallel_loop3A_158 = tpu.vector_load %arg6[%parallel_loop3A_156, %parallel_loop3A_157] {strides = array<i32>} : memref<128x128xf32, #tpu.memory_space<vmem>>, vector<1x16xf32>,
        %parallel_loop3A_159 = vector.shape_cast %parallel_loop3A_158 : vector<1x16xf32> to vector<16xf32>
        %parallel_loop3A_160 = arith.maximumf %parallel_loop3A_153, %parallel_loop3A_159 : vector<16xf32>
        %parallel_loop3A_161 = arith.constant 2 : i32
        %parallel_loop3A_162 = arith.addi %parallel_loop3A_143, %parallel_loop3A_161 : i32
        %parallel_loop3A_163 = arith.index_cast %parallel_loop3A_162 : i32 to index
        %parallel_loop3A_164 = arith.index_cast %parallel_loop3A_147 : i32 to index
        %parallel_loop3A_165 = tpu.vector_load %arg6[%parallel_loop3A_163, %parallel_loop3A_164] {strides = array<i32>} : memref<128x128xf32, #tpu.memory_space<vmem>>, vector<1x16xf32>,
        %parallel_loop3A_166 = vector.shape_cast %parallel_loop3A_165 : vector<1x16xf32> to vector<16xf32>
        %parallel_loop3A_167 = arith.constant 3 : i32
        %parallel_loop3A_168 = arith.addi %parallel_loop3A_143, %parallel_loop3A_167 : i32
        %parallel_loop3A_169 = arith.index_cast %parallel_loop3A_168 : i32 to index
        %parallel_loop3A_170 = arith.index_cast %parallel_loop3A_147 : i32 to index
        %parallel_loop3A_171 = tpu.vector_load %arg6[%parallel_loop3A_169, %parallel_loop3A_170] {strides = array<i32>} : memref<128x128xf32, #tpu.memory_space<vmem>>, vector<1x16xf32>,
        %parallel_loop3A_172 = vector.shape_cast %parallel_loop3A_171 : vector<1x16xf32> to vector<16xf32>
        %parallel_loop3A_173 = arith.maximumf %parallel_loop3A_166, %parallel_loop3A_172 : vector<16xf32>
        %parallel_loop3A_174 = arith.constant 4 : i32
        %parallel_loop3A_175 = arith.addi %parallel_loop3A_143, %parallel_loop3A_174 : i32
        %parallel_loop3A_176 = arith.index_cast %parallel_loop3A_175 : i32 to index
        %parallel_loop3A_177 = arith.index_cast %parallel_loop3A_147 : i32 to index
        %parallel_loop3A_178 = tpu.vector_load %arg6[%parallel_loop3A_176, %parallel_loop3A_177] {strides = array<i32>} : memref<128x128xf32, #tpu.memory_space<vmem>>, vector<1x16xf32>,
        %parallel_loop3A_179 = vector.shape_cast %parallel_loop3A_178 : vector<1x16xf32> to vector<16xf32>
        %parallel_loop3A_180 = arith.constant 5 : i32
        %parallel_loop3A_181 = arith.addi %parallel_loop3A_143, %parallel_loop3A_180 : i32
        %parallel_loop3A_182 = arith.index_cast %parallel_loop3A_181 : i32 to index
        %parallel_loop3A_183 = arith.index_cast %parallel_loop3A_147 : i32 to index
        %parallel_loop3A_184 = tpu.vector_load %arg6[%parallel_loop3A_182, %parallel_loop3A_183] {strides = array<i32>} : memref<128x128xf32, #tpu.memory_space<vmem>>, vector<1x16xf32>,
        %parallel_loop3A_185 = vector.shape_cast %parallel_loop3A_184 : vector<1x16xf32> to vector<16xf32>
        %parallel_loop3A_186 = arith.maximumf %parallel_loop3A_179, %parallel_loop3A_185 : vector<16xf32>
        %parallel_loop3A_187 = arith.constant 6 : i32
        %parallel_loop3A_188 = arith.addi %parallel_loop3A_143, %parallel_loop3A_187 : i32
        %parallel_loop3A_189 = arith.index_cast %parallel_loop3A_188 : i32 to index
        %parallel_loop3A_190 = arith.index_cast %parallel_loop3A_147 : i32 to index
        %parallel_loop3A_191 = tpu.vector_load %arg6[%parallel_loop3A_189, %parallel_loop3A_190] {strides = array<i32>} : memref<128x128xf32, #tpu.memory_space<vmem>>, vector<1x16xf32>,
        %parallel_loop3A_192 = vector.shape_cast %parallel_loop3A_191 : vector<1x16xf32> to vector<16xf32>
        %parallel_loop3A_193 = arith.constant 7 : i32
        %parallel_loop3A_194 = arith.addi %parallel_loop3A_143, %parallel_loop3A_193 : i32
        %parallel_loop3A_195 = arith.index_cast %parallel_loop3A_194 : i32 to index
        %parallel_loop3A_196 = arith.index_cast %parallel_loop3A_147 : i32 to index
        %parallel_loop3A_197 = tpu.vector_load %arg6[%parallel_loop3A_195, %parallel_loop3A_196] {strides = array<i32>} : memref<128x128xf32, #tpu.memory_space<vmem>>, vector<1x16xf32>,
        %parallel_loop3A_198 = vector.shape_cast %parallel_loop3A_197 : vector<1x16xf32> to vector<16xf32>
        %parallel_loop3A_199 = arith.maximumf %parallel_loop3A_192, %parallel_loop3A_198 : vector<16xf32>
        %parallel_loop3A_200 = arith.maximumf %parallel_loop3A_160, %parallel_loop3A_173 : vector<16xf32>
        %parallel_loop3A_201 = arith.maximumf %parallel_loop3A_186, %parallel_loop3A_199 : vector<16xf32>
        %parallel_loop3A_202 = arith.maximumf %parallel_loop3A_200, %parallel_loop3A_201 : vector<16xf32>
        %parallel_loop3A_203 = arith.index_cast %parallel_loop3A_141 : i32 to index
        %parallel_loop3A_204 = arith.index_cast %parallel_loop3A_147 : i32 to index
        %parallel_loop3A_205 = tpu.vector_load %arg9[%parallel_loop3A_203, %parallel_loop3A_204] {strides = array<i32>} : memref<16x128xf32, #tpu.memory_space<vmem>>, vector<1x16xf32>,
        %parallel_loop3A_206 = vector.shape_cast %parallel_loop3A_205 : vector<1x16xf32> to vector<16xf32>
        %parallel_loop3A_207 = vector.shape_cast %parallel_loop3A_202 : vector<16xf32> to vector<1x16xf32>
        tpu.vector_store %arg9[%parallel_loop3A_203, %parallel_loop3A_204], %parallel_loop3A_207 {strides = array<i32>} : memref<16x128xf32, #tpu.memory_space<vmem>>, vector<1x16xf32>,
      } {sc.loop_unroll_factor = 4 : i64, sc.parallel_access}
      %mul3A_125 = arith.constant 16 : i32
      %mul3A_126 = arith.muli %add3A_109, %mul3A_125 : i32
      %add3A_127 = arith.addi %mul3A_4, %mul3A_126 : i32
      %dma_start3A_128 = arith.constant 0 : i32
      %dma_start3A_129 = tpu.memref_slice %arg3[%add3A_127, %dma_start3A_128] : memref<32768x128xf32, #tpu.memory_space<hbm>> -> memref<16x128xf32, #tpu.memory_space<hbm>>
      %dma_start3A_130 = arith.constant 0 : i32
      %dma_start3A_131 = tpu.memref_slice %arg3[%add3A_127, %dma_start3A_130] : memref<32768x128xf32, #tpu.memory_space<hbm>> -> memref<16x128xf32, #tpu.memory_space<hbm>>
      tpu.enqueue_dma source(%arg9 : memref<16x128xf32, #tpu.memory_space<vmem>>) target(%dma_start3A_131 : memref<16x128xf32, #tpu.memory_space<hbm>>) target_semaphore(%arg15 : memref<!tpu.dma_semaphore, #tpu.memory_space<semaphore_mem>>)
      %add3A_132 = arith.constant 3 : i32
      %add3A_133 = arith.addi %add3A_109, %add3A_132 : i32
      %lt3A_134 = arith.constant 33 : i32
      %lt3A_135 = arith.cmpi slt, %add3A_133, %lt3A_134 : i32
      %convert_element_type3A_136 = arith.extui %lt3A_135 : i1 to i32
      %cond3A_137 = arith.constant 0 : i32
      %cond3A_138 = arith.cmpi ne, %convert_element_type3A_136, %cond3A_137 : i32
      scf.if %cond3A_138 {
        %add3A_139 = arith.constant 3 : i32
        %add3A_140 = arith.addi %add3A_109, %add3A_139 : i32
        %mul3A_141 = arith.constant 128 : i32
        %mul3A_142 = arith.muli %add3A_140, %mul3A_141 : i32
        %add3A_143 = arith.addi %mul3A_2, %mul3A_142 : i32
        %dma_start3A_144 = arith.constant 0 : i32
        %dma_start3A_145 = tpu.memref_slice %arg2[%add3A_143, %dma_start3A_144] : memref<262144x128xf32, #tpu.memory_space<hbm>> -> memref<128x128xf32, #tpu.memory_space<hbm>>
        %dma_start3A_146 = arith.constant 0 : i32
        %dma_start3A_147 = tpu.memref_slice %arg2[%add3A_143, %dma_start3A_146] : memref<262144x128xf32, #tpu.memory_space<hbm>> -> memref<128x128xf32, #tpu.memory_space<hbm>>
        tpu.enqueue_dma source(%dma_start3A_147 : memref<128x128xf32, #tpu.memory_space<hbm>>) target(%arg6 : memref<128x128xf32, #tpu.memory_space<vmem>>) target_semaphore(%arg12 : memref<!tpu.dma_semaphore, #tpu.memory_space<semaphore_mem>>)
      } else {
      }
    }
    %scan3A_26 = arith.constant 11 : i32
    %add3A_27 = arith.constant 480 : i32
    %add3A_28 = arith.addi %mul3A_4, %add3A_27 : i32
    %dma_wait3A = arith.constant 0 : i32
    %dma_wait3A_29 = tpu.memref_slice %arg3[%add3A_28, %dma_wait3A] : memref<32768x128xf32, #tpu.memory_space<hbm>> -> memref<16x128xf32, #tpu.memory_space<hbm>>
    %dma_wait3A_30 = arith.constant 0 : i32
    %dma_wait3A_31 = tpu.memref_slice %arg3[%add3A_28, %dma_wait3A_30] : memref<32768x128xf32, #tpu.memory_space<hbm>> -> memref<16x128xf32, #tpu.memory_space<hbm>>
    tpu.wait_dma2 semaphore(%arg13 : memref<!tpu.dma_semaphore, #tpu.memory_space<semaphore_mem>>) src(%arg7 : memref<16x128xf32, #tpu.memory_space<vmem>>) dst(%dma_wait3A_31 : memref<16x128xf32, #tpu.memory_space<hbm>>)
    %add3A_32 = arith.constant 496 : i32
    %add3A_33 = arith.addi %mul3A_4, %add3A_32 : i32
    %dma_wait3A_34 = arith.constant 0 : i32
    %dma_wait3A_35 = tpu.memref_slice %arg3[%add3A_33, %dma_wait3A_34] : memref<32768x128xf32, #tpu.memory_space<hbm>> -> memref<16x128xf32, #tpu.memory_space<hbm>>
    %dma_wait3A_36 = arith.constant 0 : i32
    %dma_wait3A_37 = tpu.memref_slice %arg3[%add3A_33, %dma_wait3A_36] : memref<32768x128xf32, #tpu.memory_space<hbm>> -> memref<16x128xf32, #tpu.memory_space<hbm>>
    tpu.wait_dma2 semaphore(%arg14 : memref<!tpu.dma_semaphore, #tpu.memory_space<semaphore_mem>>) src(%arg8 : memref<16x128xf32, #tpu.memory_space<vmem>>) dst(%dma_wait3A_37 : memref<16x128xf32, #tpu.memory_space<hbm>>)
    %add3A_38 = arith.constant 512 : i32
    %add3A_39 = arith.addi %mul3A_4, %add3A_38 : i32
    %dma_wait3A_40 = arith.constant 0 : i32
    %dma_wait3A_41 = tpu.memref_slice %arg3[%add3A_39, %dma_wait3A_40] : memref<32768x128xf32, #tpu.memory_space<hbm>> -> memref<16x128xf32, #tpu.memory_space<hbm>>
    %dma_wait3A_42 = arith.constant 0 : i32
    %dma_wait3A_43 = tpu.memref_slice %arg3[%add3A_39, %dma_wait3A_42] : memref<32768x128xf32, #tpu.memory_space<hbm>> -> memref<16x128xf32, #tpu.memory_space<hbm>>
    tpu.wait_dma2 semaphore(%arg15 : memref<!tpu.dma_semaphore, #tpu.memory_space<semaphore_mem>>) src(%arg9 : memref<16x128xf32, #tpu.memory_space<vmem>>) dst(%dma_wait3A_43 : memref<16x128xf32, #tpu.memory_space<hbm>>)
    return
  }
}

module attributes {stable_mosaic.version = 14 : i64} {
  func.func @_tc_body(%arg0: i32, %arg1: memref<4096x128xf32, #tpu.memory_space<vmem>>, %arg2: memref<512x128xf32, #tpu.memory_space<vmem>>) attributes {dimension_semantics = [#tpu.dimension_semantics<arbitrary>], iteration_bounds = array<i64: 31>, scalar_prefetch = 0 : i64, scratch_operands = 0 : i64, tpu.core_type = #tpu.core_type<tc>, window_params = [{transform_indices = @transform_0, window_bounds = array<i64: 4096, 128>}, {transform_indices = @transform_1, window_bounds = array<i64: 512, 128>}]} {
    %get3A = arith.constant 0 : index
    %get3A_0 = arith.constant 0 : index
    %get3A_1 = vector.load %arg1[%get3A, %get3A_0] : memref<4096x128xf32, #tpu.memory_space<vmem>>, vector<4096x128xf32>
    %reshape3A = vector.shape_cast %get3A_1 : vector<4096x128xf32> to vector<512x8x128xf32>
    %reduce_max3A = arith.constant dense<0xFF800000> : vector<512x128xf32>
    %reduce_max3A_2 = vector.multi_reduction <maximumf>, %reshape3A, %reduce_max3A [1] : vector<512x8x128xf32> to vector<512x128xf32>
    %swap3A = arith.constant 0 : index
    %swap3A_3 = arith.constant 0 : index
    %swap3A_4 = vector.load %arg2[%swap3A, %swap3A_3] : memref<512x128xf32, #tpu.memory_space<vmem>>, vector<512x128xf32>
    tpu.vector_store %arg2[%swap3A, %swap3A_3], %reduce_max3A_2 {strides = array<i32>} : memref<512x128xf32, #tpu.memory_space<vmem>>, vector<512x128xf32>,
    return
  }
  func.func @transform_0(%arg0: i32) -> (i32, i32) {
    %add3A = arith.constant 33 : i32
    %add3A_0 = arith.addi %arg0, %add3A : i32
    %c0_i32 = arith.constant 0 : i32
    %c0_i32_1 = arith.constant 0 : i32
    return %add3A_0, %c0_i32 : i32, i32
  }
  func.func @transform_1(%arg0: i32) -> (i32, i32) {
    %c0_i32 = arith.constant 0 : i32
    %c0_i32_0 = arith.constant 0 : i32
    return %arg0, %c0_i32 : i32, i32
  }
}

</mosaic_0001>

<sc_bundles>
// kernel: _pool.4.cloned.1.call-start
scs
__scs_entry_jumppad:
0x0: {  	(pc) =	sbr.rel $0x88, $3  }
0x1: {  	(tag) =	ssettag $0x0;
	lr =	simm.s32 $0x1  }
0x2: {  	[smem:$0x3FA0] =	sst lr;
	_ =	strace $0xD0000000  }
0x3: {  	_ = 	snop  }
0x4: {  	_ = 	snop  }
0x5: {  	_ = 	snop  }
0x6: {  	_ = 	snop  }
0x7: {  	_ = 	snop  }
__scs_overlays_trampoline_lowered:
0x8: {  	[smem:$0x3FAF] =	sst s0  }
0x9: {  	[smem:$0x3FB0] =	sst s1  }
0xa: {  	[smem:$0x3FB1] =	sst s2  }
0xb: {  	[smem:$0x3FB2] =	sst s3  }
0xc: {  	[smem:$0x3FB3] =	sst s4  }
0xd: {  	[smem:$0x3FB4] =	sst s5  }
0xe: {  	[smem:$0x3FB5] =	sst s6  }
0xf: {  	[smem:$0x3FB6] =	sst s7  }
0x10: {  	[smem:$0x3FB7] =	sst s8  }
0x11: {  	[smem:$0x3FB8] =	sst s9;
	s0 =	simm.s32 @!p0 $0x0  }
0x12: {  	s1 =	sld [smem:$0x3F9E];
	s0 =	simm.s32 @p0 $0x1  }
0x13: {  	[smem:$0x3FB9] =	sst s0;
	s0 =	simm.s32 @!p1 $0x0  }
0x14: {  	s2 =	sld [smem:$0x3F9D];
	s0 =	simm.s32 @p1 $0x1  }
0x15: {  	[smem:$0x3FBA] =	sst s0;
	s0 =	simm.s32 @!p2 $0x0  }
0x16: {  	s3 =	sld [smem:$0x3FDB];
	s0 =	simm.s32 @p2 $0x1  }
0x17: {  	s4 =	simm.s32 $0x1BF5;
	[smem:$0x3FBC] =	sst s0  }
0x18: {  	s0 =	sld [smem:$0x3F9F];
	_ =	swait.ge [sflag:s4], $0x0  }
0x19: {  	s7 =	sld [smem:$0x3FA0]  }
0x1a: {  	s8 =	sadd.s32 $0xFFFFE003, lr  }
0x1b: {  	s9 =	sadd.s32 $0xFFFFFEF7, lr;
	s5 =	simm.s32 $0xFFFFFFFF;
	p2 =	slt.u32 s8, $0xFFFFF086  }
0x1c: {  	p1 =	slt.u32 s9, $0xF7A;
	s5 =	simm.s32 @!p2 $0x0  }
0x1d: {  	s5 =	simm.s32 @p1 $0x1;
	p0 =	seq.s32 s7, s2  }
0x1e: {  	s7 =	smul.u32 @!p0 $0xF7A, s2;
	p2 =	seq.s32 @!p0 s5, $0x0  }
0x1f: {  	s9 =	smul.u32 $0xF7A, s1;
	s8 =	simm.s32 @!p0 $0x1BF5;
	p2 =	por !p2, p0  }
0x20: {  	[sflag:s8] =	ssyncset.s32 @!p0 $0xFFFFF086;
	s6 =	sadd.s32 @!p0 s3, s7;
	s7 =	simm.s32 @!p0 $0x108  }
0x21: {  	s3 =	sadd.s32 s3, s9;
	s6 =	sadd.s32 @!p0 $0x88, s6;
	s7 =	simm.s32 @p2 $0x1082  }
0x22: {  	[simem:s7], [sflag:s8] =	dma.local @!p0 [hbm:s6], $0xF7A  }
0x23: {  	s9 =	sor.u32 $0xD0000000, s2;
	s6 =	simm.s32 $0x108;
	_ =	swait.ge @!p0 [sflag:s8], $0x0  }
0x24: {  	s3 =	sadd.s32 $0x88, s3;
	s6 =	simm.s32 @!p1 $0x1082;
	[sflag:s4] =	ssyncset.s32 $0xFFFFF086  }
0x25: {  	[simem:s6], [sflag:s4] =	dma.local [hbm:s3], $0xF7A  }
0x26: {  	[smem:$0x3FA0] =	sst s1;
	(tag) =	ssettag s2;
	_ =	strace s9  }
0x27: {  	s1 =	sld [smem:$0x3FB0]  }
0x28: {  	s2 =	sld [smem:$0x3FB1]  }
0x29: {  	s4 =	sld [smem:$0x3FB3]  }
0x2a: {  	p0 =	seq.s32 s5, $0x0;
	s5 =	sld [smem:$0x3FB4]  }
0x2b: {  	s6 =	sld [smem:$0x3FB5]  }
0x2c: {  	s7 =	sld [smem:$0x3FB6]  }
0x2d: {  	s3 =	simm.s32 $0x108;
	s8 =	sld [smem:$0x3FB7]  }
0x2e: {  	s3 =	simm.s32 @!p0 $0x1082;
	s9 =	sld [smem:$0x3FB8]  }
0x2f: {  	lr =	sadd.s32 s0, s3;
	s0 =	sld [smem:$0x3FAF]  }
0x30: {  	s3 =	sld [smem:$0x3FB2]  }
0x31: {  	[smem:$0x3FBB] =	sst s10  }
0x32: {  	s10 =	sld [smem:$0x3FB9];
	_ =	sdelay $0x3  }
0x33: {  	p0 =	seq.s32 s10, $0x1;
	s10 =	sld [smem:$0x3FBB];
	_ =	sdelay $0x3  }
0x34: {  	[smem:$0x3FBB] =	sst s10  }
0x35: {  	s10 =	sld [smem:$0x3FBA];
	_ =	sdelay $0x3  }
0x36: {  	p1 =	seq.s32 s10, $0x1;
	s10 =	sld [smem:$0x3FBB];
	_ =	sdelay $0x3  }
0x37: {  	[smem:$0x3FBB] =	sst s10  }
0x38: {  	s10 =	sld [smem:$0x3FBC]  }
0x39: {  	_ = 	snop;
	(pc) =	sbr.ind lr, $3  }
0x3a: {  	_ = 	snop  }
0x3b: {  	_ = 	snop  }
0x3c: {  	p2 =	seq.s32 s10, $0x1;
	s10 =	sld [smem:$0x3FBB]  }
0x3d: {  	_ =	shalt  }
0x3e: {  	_ =	shalt  }
0x3f: {  	_ =	shalt  }
0x40: {  	_ =	shalt  }
0x41: {  	_ =	shalt  }
0x42: {  	_ =	shalt  }
0x43: {  	_ =	shalt  }
0x44: {  	_ =	shalt  }
0x45: {  	_ =	shalt  }
0x46: {  	_ =	shalt  }
0x47: {  	_ =	shalt  }
0x48: {  	_ =	shalt  }
0x49: {  	_ =	shalt  }
0x4a: {  	_ =	shalt  }
0x4b: {  	_ =	shalt  }
0x4c: {  	_ =	shalt  }
0x4d: {  	_ =	shalt  }
0x4e: {  	_ =	shalt  }
0x4f: {  	_ =	shalt  }
0x50: {  	_ =	shalt  }
0x51: {  	_ =	shalt  }
0x52: {  	_ =	shalt  }
0x53: {  	_ =	shalt  }
0x54: {  	_ =	shalt  }
0x55: {  	_ =	shalt  }
0x56: {  	_ =	shalt  }
0x57: {  	_ =	shalt  }
0x58: {  	_ =	shalt  }
0x59: {  	_ =	shalt  }
0x5a: {  	_ =	shalt  }
0x5b: {  	_ =	shalt  }
0x5c: {  	_ =	shalt  }
0x5d: {  	_ =	shalt  }
0x5e: {  	_ =	shalt  }
0x5f: {  	_ =	shalt  }
0x60: {  	_ =	shalt  }
0x61: {  	_ =	shalt  }
0x62: {  	_ =	shalt  }
0x63: {  	_ =	shalt  }
0x64: {  	_ =	shalt  }
0x65: {  	_ =	shalt  }
0x66: {  	_ =	shalt  }
0x67: {  	_ =	shalt  }
0x68: {  	_ =	shalt  }
0x69: {  	_ =	shalt  }
0x6a: {  	_ =	shalt  }
0x6b: {  	_ =	shalt  }
0x6c: {  	_ =	shalt  }
0x6d: {  	_ =	shalt  }
0x6e: {  	_ =	shalt  }
0x6f: {  	_ =	shalt  }
0x70: {  	_ =	shalt  }
0x71: {  	_ =	shalt  }
0x72: {  	_ =	shalt  }
0x73: {  	_ =	shalt  }
0x74: {  	_ =	shalt  }
0x75: {  	_ =	shalt  }
0x76: {  	_ =	shalt  }
0x77: {  	_ =	shalt  }
0x78: {  	_ =	shalt  }
0x79: {  	_ =	shalt  }
0x7a: {  	_ =	shalt  }
0x7b: {  	_ =	shalt  }
0x7c: {  	_ =	shalt  }
0x7d: {  	_ =	shalt  }
0x7e: {  	_ =	shalt  }
0x7f: {  	_ =	shalt  }
0x80: {  	_ =	shalt  }
0x81: {  	_ =	shalt  }
0x82: {  	_ =	shalt  }
0x83: {  	_ =	shalt  }
0x84: {  	_ =	shalt  }
0x85: {  	_ =	shalt  }
0x86: {  	_ =	shalt  }
0x87: {  	_ =	shalt  }
.Lfunc_end0:
.L_simem_size_0:
called_computation_lowered:
.L_overlay_start_0:
0x88: {  	s2 =	sld [smem:$0x3FD9]  }
0x89: {  	s3 =	sld [smem:$0x3FFE];
	_ =	sdelay $0x1  }
0x8a: {  	s1 =	srdreg.scid  }
0x8b: {  	s0 =	sand.u32 $0x1, s1  }
0x8c: {  	s18 =	sshll.u32 s0, $0xA;
	s2 =	sadd.s32 s3, s2  }
0x8d: {  	s2 =	sadd.s32 s2, s18  }
0x8e: {  	[smem:$0x3FC7] =	sst s2  }
0x8f: {  	_ = 	snop  }
0x90: {  	s2 =	sld [smem:$0x3FC9]  }
0x91: {  	s19 =	sld [smem:$0x3FD0];
	(tm) =	ssettm $0x1  }
0x92: {  	s4 =	sld [smem:$0x3FFB];
	_ =	sdelay $0x3  }
0x93: {  	_ =	strace s4  }
0x94: {  	s4 =	sld [smem:$0x3FFC];
	_ =	sdelay $0x3  }
0x95: {  	_ =	strace s4  }
0x96: {  	s4 =	sld [smem:$0x3FFD];
	_ =	sdelay $0x3  }
0x97: {  	_ =	strace s4  }
0x98: {  	_ =	strace $0x8FFFFFFF  }
0x99: {  	s20 =	sld [smem:$0x3FDB];
	_ =	sdelay $0x1  }
0x9a: {  	s5 =	simm.s32 $_scs_section_size  }
0x9b: {  	s6 =	simm.s32 $_size__tile_overlayer_lowered;
	s7 =	simm.s32 $_tile_overlayer_lowered  }
0x9c: {  	s23 =	simm.s32 $0x1BFF;
	s22 =	sshll.u32 s7, $0x1;
	s4 =	sadd.s32 s5, s20  }
0x9d: {  	s8 =	simm.s32 $0x0;
	s21 =	sshll.u32 s6, $0x1;
	s6 =	sadd.s32 s22, s4  }
0x9e: {  	[timem:s8], [sflag:s23] =	dma.local [hbm:s6], s21  }
0x9f: {  	_ =	swait.ge [sflag:s23], s21  }
0xa0: {  	s5 =	ssub.s32 $0x0, s21;
	[sflag:s23] =	ssyncset.done $0x0  }
0xa1: {  	[sflag:s23] =	ssyncadd.s32 s5;
	_ =	sdelay $0x1  }
0xa2: {  	s24 =	simm.s32 $0x1B8B  }
0xa3: {  	_ =	swait.ge [sflag:s24], $0x1  }
0xa4: {  	[sflag:s24] =	ssyncset.done $0x0  }
0xa5: {  	s25 =	simm.s32 $0x1B8E;
	[sflag:s24] =	ssyncadd.s32 $0xFFFFFFFF  }
0xa6: {  	s26 =	simm.s32 $execute0_lowered;
	[smem:$0x3FD2] =	sst s25  }
0xa7: {  	s5 =	sshll.u32 s26, $0x1;
	_ =	strace $0x80000046;
	[dreg:$0x1] =	wrdreg $0xFFFFFFFF  }
0xa8: {  	s28 =	simm.s32 $_size_execute0_lowered;
	s4 =	sadd.s32 s4, s5;
	[dreg:$0x0] =	wrdreg $0x0  }
0xa9: {  	s5 =	sshll.u32 s28, $0x1;
	[dreg:$0x2] =	wrdreg s4  }
0xaa: {  	[dreg:$0x3] =	wrdreg s5  }
0xab: {  	[dreg:$0x4] =	wrdreg $0xC0  }
0xac: {  	_ =	task [dreg:s8], $0x5FFFF  }
0xad: {  	[dreg:$0x1] =	wrdreg $0xFFFFFFFF  }
0xae: {  	[dreg:$0x0] =	wrdreg $0x60  }
0xaf: {  	[dreg:$0x2] =	wrdreg s2  }
0xb0: {  	[dreg:$0x3] =	wrdreg s19  }
0xb1: {  	[dreg:$0x4] =	wrdreg $0x9  }
0xb2: {  	_ =	task.clear_ibuf [dreg:s8], $0x5FFFF;
	_ =	strace $0x90000046  }
0xb3: {  	s29 =	simm.s32 $0x9;
	_ =	strace $0x80000048  }
0xb4: {  	_ =	swait.ge [sflag:s29], $0x1  }
0xb5: {  	[sflag:s29] =	ssyncadd.s32 $0xFFFFFFFF  }
0xb6: {  	_ =	strace $0x90000048  }
0xb7: {  	_ =	sfence  }
0xb8: {  	s30 =	sld [smem:$0x0];
	_ =	sdelay $0x2  }
0xb9: {  	s31 =	sshll.u32 s1, $0xD;
	s1 =	sshrl.u32 s1, $0x2  }
0xba: {  	s3 =	sand.u32 $0x4000, s31;
	s1 =	sadd.s32 s1, s30  }
0xbb: {  	s0 =	sor.u32 s3, s0;
	s1 =	sshll.u32 s1, $0x11  }
0xbc: {  	s0 =	sor.u32 s1, s0  }
0xbd: {  	s0 =	sadd.s32 $0x8F2B, s0  }
0xbe: {  	[sflag:s0] =	ssyncadd.remote.s32 $0x1  }
0xbf: {  	_ =	sfence.sel $0xFFFF  }
0xc0: {  	[dreg:$0x0] =	wrdreg $0xFFFFFFFF;
	(pc) =	sbr.abs _section_cstart, $3  }
0xc1: {  	[dreg:$0x1] =	wrdreg $0xFFFFFFFF  }
0xc2: {  	_ =	task.clear_ibuf [dreg:s8], $0x2FFFF;
	_ =	strace $0x9FFFFFFF  }
0xc3: {  	(tm) =	ssettm $0x7FFFFFFF  }
tec
execute0_lowered:
.L_overlay_start_1:
0x0: {  	(tag) =	ssettag $0x1  }
0x1: {  	s0 =	srdreg.scid;
	s1 =	stileid.u32  }
0x2: {  	s0 =	sand.u32 $0x1, s0;
	s1 =	sshll.u32 s1, $0x1  }
0x3: {  	s1 =	sor.u32 s0, s1  }
0x4: {  	s6 =	smul.u32 $0x84000, s1  }
0x5: {  	s2 =	rddreg [dreg:$0x0];
	s7 =	smul.u32 $0x10800, s1  }
0x6: {  	s3 =	rddreg [dreg:$0x1];
	s4 =	simm.s32 $0x0;
	s1 =	smul.u32 $0x210, s1  }
0x7: {  	[smem:$0x7FF] =	sst s4  }
0x8: {  	_ =	strace $0x80000047;
	[dreg:$0x3] =	wrdreg s1;
	s26 =	sadd.s32 $0xC000, s6  }
0x9: {  	s0 =	ssub.s32 $0x2, s0;
	s28 =	sadd.s32 $0x800, s7;
	[dreg:$0x7] =	wrdreg s26  }
0xa: {  	s5 =	sshrl.u32 s0, $0x1;
	s29 =	sadd.s32 $0x10000, s6;
	[dreg:$0x8] =	wrdreg s28  }
0xb: {  	s0 =	ssub.s32 s0, s5;
	s30 =	sadd.s32 $0x1000, s7;
	[dreg:$0x9] =	wrdreg s29  }
0xc: {  	s8 =	sshrl.u32 s6, $0x3;
	s31 =	sadd.s32 $0x14000, s6;
	[dreg:$0xa] =	wrdreg s30  }
.Ltmp0:
0xd: {  	s0 =	smax.u32 s0, $0x1;
	[dreg:$0xb] =	wrdreg s31;
	(pc) =	sbr.rel .LBB2_1-.Ltmp0, $4  }
0xe: {  	s24 =	sadd.s32 s2, s8;
	s2 =	sadd.s32 s2, s7;
	[dreg:$0xc] =	wrdreg s0  }
0xf: {  	[dreg:$0x4] =	wrdreg s2;
	s25 =	sadd.s32 $0x800, s24  }
0x10: {  	s19 =	simm.s32 $0x2;
	s1 =	sadd.s32 $0x1000, s24;
	[dreg:$0x5] =	wrdreg s25  }
0x11: {  	s22 =	simm.s32 $0x3;
	s2 =	simm.s32 $0x0;
	[dreg:$0x6] =	wrdreg s1  }
.LBB2_18:
0x12: {  	s0 =	simm.s32 $0x4  }
0x13: {  	_ =	swait.ge [sflag:s0], $0x800  }
0x14: {  	[sflag:s0] =	ssyncset.done $0x0  }
0x15: {  	s30 =	simm.s32 $0x5;
	[sflag:s0] =	ssyncadd.s32 $0xFFFFF800  }
0x16: {  	_ =	swait.ge [sflag:s30], $0x800  }
0x17: {  	[sflag:s30] =	ssyncset.done $0x0  }
0x18: {  	s1 =	simm.s32 $0x6;
	[sflag:s30] =	ssyncadd.s32 $0xFFFFF800  }
0x19: {  	_ =	swait.ge [sflag:s1], $0x800  }
0x1a: {  	s2 =	rddreg [dreg:$0xd]  }
0x1b: {  	s31 =	rddreg [dreg:$0xc];
	s2 =	sadd.s32 $0x1, s2  }
0x1c: {  	p0 =	sne.s32 s2, s31  }
.Ltmp1:
0x1d: {  	_ = 	snop;
	(pc) =	sbr.rel @!p0 .LBB2_19-.Ltmp1, $3  }
0x1e: {  	_ =	sdelay $0x1  }
0x1f: {  	[sflag:s1] =	ssyncset.done $0x0  }
0x20: {  	[sflag:s1] =	ssyncadd.s32 $0xFFFFF800  }
.LBB2_1:
0x21: {  	[dreg:$0xd] =	wrdreg s2  }
0x22: {  	s0 =	rddreg [dreg:$0x4]  }
0x23: {  	[tilespmem:s4], [sflag:$0x1] =	stream.linear.gather [hbm4b:s0+s4], $0x4000, $0x38;
	[tilespmem:$0xD800] =	vst v63  }
0x24: {  	s29 =	rddreg [dreg:$0x5];
	s1 =	simm.s32 $0x4000  }
0x25: {  	[tilespmem:s1], [sflag:$0x2] =	stream.linear.gather [hbm4b:s29+s4], $0x4000, $0x38;
	[tilespmem:$0xD800] =	vst v63  }
0x26: {  	s30 =	rddreg [dreg:$0x6];
	s31 =	simm.s32 $0x8000;
	s28 =	simm.s32 $0x0  }
0x27: {  	[tilespmem:s31], [sflag:$0x3] =	stream.linear.gather [hbm4b:s30+s4], $0x4000, $0x38;
	[tilespmem:$0xD800] =	vst v63  }
.LBB2_2:
0x28: {  	s0 =	simm.s32 $0x1  }
0x29: {  	p0 =	seq.s32 s28, $0x0;
	_ =	swait.ge [sflag:s0], $0x4000  }
0x2a: {  	s29 =	simm.s32 $0x0;
	p1 =	por $0x0, $0x0;
	[sflag:s0] =	ssyncset.done $0x0  }
0x2b: {  	s1 =	simm.s32 $0x0;
	s7 =	simm.s32 @!p0 $0x4;
	[sflag:s0] =	ssyncadd.s32 $0xFFFFC000  }
0x2c: {  	s8 =	simm.s32 $0x1;
	s0 =	sand.u32 $0x40, s29;
	_ =	swait.ge @!p0 [sflag:s7], $0x800  }
0x2d: {  	s6 =	sand.u32 $0x3C00, s1;
	s1 =	sor.u32 $0x30, s0;
	[sflag:s7] =	ssyncset.done @!p0 $0x0  }
0x2e: {  	s8 =	simm.s32 @!p1 $0x0;
	s21 =	sor.u32 s1, s6;
	[sflag:s7] =	ssyncadd.s32 @!p0 $0xFFFFF800  }
0x2f: {  	s8 =	sshll.u32 s8, $0x6;
	v0 =	vld [tilespmem:s21+$0x0]  }
0x30: {  	s8 =	sadd.s32 $0x0, s8;
	v1 =	vld [tilespmem:s21+$0x80]  }
0x31: {  	s9 =	sadd.s32 $0x30, s8;
	v2 =	vld [tilespmem:s21+$0x100]  }
0x32: {  	s23 =	sor.u32 $0x200, s9;
	v3 =	vld [tilespmem:s21+$0x180]  }
0x33: {  	s24 =	sor.u32 $0x280, s9;
	v4 =	vld [tilespmem:s23+$0x0]  }
0x34: {  	s25 =	sor.u32 $0x300, s9;
	v5 =	vld [tilespmem:s24+$0x0]  }
0x35: {  	s11 =	sadd.s32 $0x10, s8;
	s26 =	sor.u32 $0x380, s9;
	v6 =	vld [tilespmem:s25+$0x0]  }
0x36: {  	s31 =	sor.u32 $0x200, s11;
	v7 =	vld [tilespmem:s26+$0x0]  }
0x37: {  	s2 =	sor.u32 $0x280, s11;
	v8 =	vld [tilespmem:s31+$0x0]  }
0x38: {  	s5 =	sor.u32 $0x300, s11;
	v9 =	vld [tilespmem:s2+$0x0]  }
0x39: {  	s10 =	sadd.s32 $0x20, s8;
	s11 =	sor.u32 $0x380, s11;
	v10 =	vld [tilespmem:s5+$0x0]  }
0x3a: {  	s12 =	sor.u32 $0x200, s10;
	v11 =	vld [tilespmem:s11+$0x0]  }
0x3b: {  	s13 =	sor.u32 $0x280, s10;
	v12 =	vld [tilespmem:s12+$0x0]  }
0x3c: {  	s14 =	sor.u32 $0x300, s10;
	v13 =	vld [tilespmem:s13+$0x0]  }
0x3d: {  	s7 =	sor.u32 $0x380, s10;
	v14 =	vld [tilespmem:s14+$0x0]  }
0x3e: {  	s15 =	sor.u32 $0x200, s8;
	v15 =	vld [tilespmem:s7+$0x0]  }
0x3f: {  	s16 =	sor.u32 $0x280, s8;
	v16 =	vld [tilespmem:s15+$0x0]  }
0x40: {  	s17 =	sor.u32 $0x300, s8;
	v17 =	vld [tilespmem:s16+$0x0]  }
0x41: {  	s18 =	sor.u32 $0x380, s8;
	v18 =	vld [tilespmem:s17+$0x0]  }
0x42: {  	s20 =	sor.u32 s0, s6;
	v19 =	vld [tilespmem:s18+$0x0]  }
0x43: {  	v20 =	vld [tilespmem:s20+$0x0]  }
0x44: {  	v21 =	vld [tilespmem:s20+$0x80]  }
0x45: {  	s21 =	sor.u32 $0x10, s0;
	v22 =	vld [tilespmem:s20+$0x100];
	v0 =	vmax.f32 v0, v1  }
0x46: {  	s23 =	sor.u32 s21, s6;
	v1 =	vmax.f32 v2, v3;
	v2 =	vmax.f32 v4, v5;
	v3 =	vmax.f32 v6, v7;
	v4 =	vld [tilespmem:s20+$0x180]  }
0x47: {  	v5 =	vld [tilespmem:s23+$0x80];
	v0 =	vmax.f32 v0, v1;
	v1 =	vmax.f32 v2, v3  }
0x48: {  	s24 =	sor.u32 $0x20, s0;
	s14 =	sand.u32 $0x780, s29;
	v2 =	vld [tilespmem:s23+$0x0];
	v3 =	vmax.f32 v8, v9;
	v7 =	vmax.f32 v0, v1;
	v0 =	vmax.f32 v10, v11  }
0x49: {  	s30 =	simm.s32 $0x0;
	s8 =	sor.u32 s24, s6;
	s26 =	sor.u32 $0xC000, s14;
	v6 =	vmax.f32 v14, v15;
	v1 =	vmax.f32 v3, v0;
	v0 =	vmax.f32 v12, v13;
	v3 =	vld [tilespmem:s23+$0x100]  }
0x4a: {  	s25 =	sor.u32 s0, s26;
	s7 =	sor.u32 s21, s26;
	s31 =	sor.u32 s1, s26;
	v8 =	vmax.f32 v16, v17;
	v9 =	vmax.f32 v18, v19;
	v0 =	vmax.f32 v0, v6;
	v6 =	vld [tilespmem:s23+$0x180]  }
0x4b: {  	s6 =	sor.u32 s24, s26;
	s1 =	simm.s32 $0x40;
	s0 =	simm.s32 $0x800;
	[tilespmem:s31+$0x0] =	vst v7;
	v7 =	vmax.f32 v8, v9;
	v8 =	vmax.f32 v20, v21;
	v9 =	vmax.f32 v22, v4;
	v4 =	vld [tilespmem:s8+$0x0]  }
.LBB2_3:
0x4c: {  	s26 =	sand.u32 $0x40, s1;
	s9 =	sshrl.u32 s0, $0x2;
	v8 =	vmax.f32 v8, v9;
	v9 =	vld [tilespmem:s8+$0x80];
	p1 =	por !p1, !p1  }
0x4d: {  	s11 =	simm.s32 $0x1;
	s16 =	sand.u32 $0x3C00, s9;
	s15 =	sor.u32 $0x30, s26;
	v7 =	vmax.f32 v8, v7;
	v2 =	vmax.f32 v2, v5;
	v5 =	vld [tilespmem:s8+$0x100]  }
0x4e: {  	s11 =	simm.s32 @!p1 $0x0;
	s9 =	sor.u32 $0x10, s26;
	s18 =	sor.u32 s15, s16;
	[tilespmem:s25+$0x0] =	vst v7;
	v7 =	vld [tilespmem:s8+$0x180]  }
0x4f: {  	s29 =	sadd.s32 $0x200, s29;
	s8 =	sshll.u32 s11, $0x6;
	s11 =	sor.u32 $0x20, s26;
	v8 =	vld [tilespmem:s18+$0x0];
	v3 =	vmax.f32 v3, v6  }
0x50: {  	s14 =	sor.u32 s26, s16;
	s31 =	sor.u32 s9, s16;
	s8 =	sadd.s32 s8, s29;
	v6 =	vld [tilespmem:s18+$0x80];
	v2 =	vmax.f32 v2, v3  }
0x51: {  	s30 =	sadd.s32 $0x4, s30;
	s25 =	sadd.s32 $0x10, s8;
	s21 =	sadd.s32 $0x30, s8;
	v3 =	vld [tilespmem:s18+$0x100];
	v1 =	vmax.f32 v2, v1;
	v2 =	vmax.f32 v4, v9  }
0x52: {  	p2 =	slt.u32 s30, $0x7C;
	s24 =	sadd.s32 $0x20, s8;
	v4 =	vld [tilespmem:s18+$0x180];
	s18 =	sor.u32 $0x200, s21;
	[tilespmem:s7+$0x0] =	vst v1  }
0x53: {  	s2 =	sor.u32 $0x280, s25;
	s7 =	sor.u32 $0x200, s25;
	v1 =	vld [tilespmem:s18+$0x0];
	s18 =	sor.u32 $0x280, s21;
	v5 =	vmax.f32 v5, v7  }
0x54: {  	s13 =	sor.u32 $0x300, s25;
	s25 =	sor.u32 $0x380, s25;
	v7 =	vld [tilespmem:s18+$0x0];
	s18 =	sor.u32 $0x300, s21;
	v2 =	vmax.f32 v2, v5  }
0x55: {  	s5 =	sor.u32 $0x200, s24;
	s10 =	sor.u32 $0x280, s24;
	v5 =	vld [tilespmem:s18+$0x0];
	s18 =	sor.u32 $0x380, s21;
	v0 =	vmax.f32 v2, v0  }
0x56: {  	s12 =	sor.u32 $0x300, s24;
	s24 =	sor.u32 $0x380, s24;
	s21 =	sor.u32 $0x200, s8;
	v2 =	vld [tilespmem:s18+$0x0];
	[tilespmem:s6+$0x0] =	vst v0  }
0x57: {  	s20 =	sor.u32 $0x300, s8;
	s23 =	sor.u32 $0x380, s8;
	s18 =	sor.u32 $0x280, s8;
	v0 =	vld [tilespmem:s7+$0x0]  }
0x58: {  	s8 =	sor.u32 s11, s16;
	v9 =	vld [tilespmem:s2+$0x0]  }
0x59: {  	v10 =	vld [tilespmem:s13+$0x0]  }
0x5a: {  	v6 =	vmax.f32 v8, v6;
	v11 =	vld [tilespmem:s25+$0x0]  }
0x5b: {  	v3 =	vmax.f32 v3, v4;
	s2 =	sand.u32 $0x780, s1;
	v1 =	vmax.f32 v1, v7;
	v8 =	vld [tilespmem:s5+$0x0];
	v2 =	vmax.f32 v5, v2  }
0x5c: {  	v3 =	vmax.f32 v6, v3;
	s2 =	sor.u32 $0xC000, s2;
	v4 =	vld [tilespmem:s10+$0x0];
	v1 =	vmax.f32 v1, v2  }
0x5d: {  	s25 =	sor.u32 s26, s2;
	s7 =	sor.u32 s9, s2;
	s5 =	sor.u32 s15, s2;
	v0 =	vmax.f32 v0, v9;
	v2 =	vld [tilespmem:s12+$0x0];
	v1 =	vmax.f32 v3, v1  }
0x5e: {  	s6 =	sor.u32 s11, s2;
	v3 =	vld [tilespmem:s24+$0x0];
	[tilespmem:s5+$0x0] =	vst v1  }
0x5f: {  	v5 =	vld [tilespmem:s21+$0x0];
	v1 =	vmax.f32 v10, v11  }
0x60: {  	v6 =	vld [tilespmem:s18+$0x0];
	v1 =	vmax.f32 v0, v1  }
0x61: {  	v7 =	vld [tilespmem:s20+$0x0];
	v0 =	vmax.f32 v8, v4  }
0x62: {  	v4 =	vld [tilespmem:s23+$0x0]  }
0x63: {  	v8 =	vld [tilespmem:s14+$0x0];
	v2 =	vmax.f32 v2, v3  }
0x64: {  	v3 =	vld [tilespmem:s14+$0x80];
	v0 =	vmax.f32 v0, v2  }
0x65: {  	v9 =	vld [tilespmem:s14+$0x100];
	v5 =	vmax.f32 v5, v6  }
0x66: {  	v10 =	vld [tilespmem:s14+$0x180]  }
.Ltmp2:
0x67: {  	v4 =	vmax.f32 v7, v4;
	v2 =	vld [tilespmem:s31+$0x0];
	(pc) =	sbr.rel @p2 .LBB2_3-.Ltmp2, $4  }
0x68: {  	v7 =	vmax.f32 v5, v4;
	v5 =	vld [tilespmem:s31+$0x80]  }
0x69: {  	v8 =	vmax.f32 v8, v3;
	v3 =	vld [tilespmem:s31+$0x100]  }
0x6a: {  	v6 =	vld [tilespmem:s31+$0x180]  }
0x6b: {  	s0 =	sadd.s32 $0x800, s0;
	s1 =	sadd.s32 $0x40, s1;
	v9 =	vmax.f32 v9, v10;
	v4 =	vld [tilespmem:s8+$0x0]  }
0x6c: {  	v10 =	vld [tilespmem:s8+$0x80]  }
0x6d: {  	v11 =	vld [tilespmem:s8+$0x100]  }
0x6e: {  	v12 =	vld [tilespmem:s8+$0x180];
	_ =	sdelay $0x1  }
0x6f: {  	v8 =	vmax.f32 v8, v9  }
0x70: {  	v7 =	vmax.f32 v8, v7  }
0x71: {  	s0 =	smul.u32 $0x30, s28;
	p1 =	sne.s32 s28, $0xA;
	v2 =	vmax.f32 v2, v5;
	[tilespmem:s25+$0x0] =	vst v7;
	v3 =	vmax.f32 v3, v6  }
.Ltmp3:
0x72: {  	s1 =	rddreg [dreg:$0x3];
	v2 =	vmax.f32 v2, v3;
	v61 =	vmax.f32 v4, v10;
	v62 =	vmax.f32 v11, v12;
	(pc) =	sbr.rel @p1 .LBB2_6-.Ltmp3, $4  }
0x73: {  	s0 =	sadd.s32 s1, s0;
	v1 =	vmax.f32 v2, v1;
	v63 =	vmax.f32 v61, v62  }
0x74: {  	s0 =	sshll.u32 s0, $0x4;
	[tilespmem:s7+$0x0] =	vst v1;
	v0 =	vmax.f32 v63, v0  }
0x75: {  	s31 =	simm.s32 $0xC000;
	s0 =	sadd.s32 s3, s0;
	[tilespmem:s6+$0x0] =	vst v0  }
0x76: {  	[hbm4b:s0+s4] =	stream.linear.scatter [tilespmem:s31], [sflag:$0x4], $0x800, $0x38;
	[tilespmem:$0xD800] =	vst v63  }
.Ltmp4:
0x77: {  	(pc) =	sbr.rel .LBB2_7-.Ltmp4, $4  }
0x78: {  	_ = 	snop  }
0x79: {  	_ =	swait.ge [sflag:s19], $0x4000  }
0x7a: {  	[sflag:s19] =	ssyncset.done $0x0  }
0x7b: {  	[sflag:s19] =	ssyncadd.s32 $0xFFFFC000  }
.LBB2_6:
0x7c: {  	s0 =	smul.u32 $0xC000, s28  }
0x7d: {  	s1 =	rddreg [dreg:$0x7]  }
0x7e: {  	s0 =	sadd.s32 s0, s1  }
0x7f: {  	s31 =	rddreg [dreg:$0x0];
	s0 =	sshrl.u32 s0, $0x3  }
.Ltmp5:
0x80: {  	s0 =	sadd.s32 s31, s0;
	(pc) =	sbr.rel @p0 .LBB2_8-.Ltmp5, $4  }
0x81: {  	[tilespmem:s4], [sflag:$0x1] =	stream.linear.gather [hbm4b:s0+s4], $0x4000, $0x38;
	[tilespmem:$0xD800] =	vst v63  }
0x82: {  	_ =	swait.ge [sflag:s19], $0x4000  }
0x83: {  	[sflag:s19] =	ssyncset.done $0x0  }
0x84: {  	[sflag:s19] =	ssyncadd.s32 $0xFFFFC000  }
.LBB2_7:
0x85: {  	s0 =	simm.s32 $0x5  }
0x86: {  	_ =	swait.ge [sflag:s0], $0x800  }
0x87: {  	[sflag:s0] =	ssyncset.done $0x0  }
0x88: {  	[sflag:s0] =	ssyncadd.s32 $0xFFFFF800  }
.LBB2_8:
0x89: {  	s29 =	simm.s32 $0x0  }
0x8a: {  	s1 =	sand.u32 $0xF000, s29  }
0x8b: {  	s0 =	sand.u32 $0x40, s29;
	s1 =	sshrl.u32 s1, $0x2  }
0x8c: {  	s6 =	sor.u32 $0x4000, s1;
	s1 =	sor.u32 $0x30, s0  }
0x8d: {  	s5 =	sor.u32 s1, s6  }
0x8e: {  	v0 =	vld [tilespmem:s5+$0x0]  }
0x8f: {  	v1 =	vld [tilespmem:s5+$0x80]  }
0x90: {  	v2 =	vld [tilespmem:s5+$0x100]  }
0x91: {  	p2 =	por $0x0, $0x0;
	s2 =	simm.s32 $0x1;
	s17 =	sor.u32 s0, s6;
	v3 =	vld [tilespmem:s5+$0x180]  }
0x92: {  	s2 =	simm.s32 @!p2 $0x0;
	v16 =	vld [tilespmem:s17+$0x0]  }
0x93: {  	s2 =	sshll.u32 s2, $0x6;
	v17 =	vld [tilespmem:s17+$0x80]  }
0x94: {  	s2 =	sadd.s32 $0x0, s2;
	v18 =	vld [tilespmem:s17+$0x100]  }
0x95: {  	s18 =	sor.u32 $0x200, s2;
	v19 =	vld [tilespmem:s17+$0x180]  }
0x96: {  	s7 =	sadd.s32 $0x30, s2;
	s20 =	sor.u32 $0x280, s2;
	v20 =	vld [tilespmem:s18+$0x4000]  }
0x97: {  	s24 =	sor.u32 $0x200, s7;
	v21 =	vld [tilespmem:s20+$0x4000]  }
0x98: {  	s25 =	sor.u32 $0x280, s7;
	v4 =	vld [tilespmem:s24+$0x4000]  }
0x99: {  	s26 =	sor.u32 $0x300, s7;
	v5 =	vld [tilespmem:s25+$0x4000]  }
0x9a: {  	s8 =	sadd.s32 $0x10, s2;
	s9 =	sor.u32 $0x380, s7;
	v6 =	vld [tilespmem:s26+$0x4000]  }
0x9b: {  	s10 =	sor.u32 $0x200, s8;
	v7 =	vld [tilespmem:s9+$0x4000]  }
0x9c: {  	s11 =	sor.u32 $0x280, s8;
	v8 =	vld [tilespmem:s10+$0x4000]  }
0x9d: {  	s12 =	sor.u32 $0x300, s8;
	v9 =	vld [tilespmem:s11+$0x4000]  }
0x9e: {  	s13 =	sadd.s32 $0x20, s2;
	s8 =	sor.u32 $0x380, s8;
	v10 =	vld [tilespmem:s12+$0x4000]  }
0x9f: {  	s14 =	sor.u32 $0x200, s13;
	v11 =	vld [tilespmem:s8+$0x4000]  }
0xa0: {  	s15 =	sor.u32 $0x280, s13;
	v12 =	vld [tilespmem:s14+$0x4000]  }
0xa1: {  	s16 =	sor.u32 $0x300, s13;
	v13 =	vld [tilespmem:s15+$0x4000]  }
0xa2: {  	s5 =	sor.u32 $0x380, s13;
	v14 =	vld [tilespmem:s16+$0x4000]  }
0xa3: {  	s21 =	sor.u32 $0x300, s2;
	v15 =	vld [tilespmem:s5+$0x4000]  }
0xa4: {  	s23 =	sor.u32 $0x10, s0;
	s2 =	sor.u32 $0x380, s2;
	v0 =	vmax.f32 v0, v1;
	v1 =	vmax.f32 v2, v3;
	v2 =	vld [tilespmem:s21+$0x4000]  }
0xa5: {  	s24 =	sor.u32 s23, s6;
	v3 =	vmax.f32 v4, v5;
	v4 =	vmax.f32 v6, v7;
	v0 =	vmax.f32 v0, v1;
	v5 =	vld [tilespmem:s2+$0x4000]  }
0xa6: {  	s30 =	simm.s32 $0x0;
	s9 =	sand.u32 $0x780, s29;
	v6 =	vmax.f32 v10, v11;
	v1 =	vmax.f32 v3, v4;
	v4 =	vmax.f32 v8, v9;
	v3 =	vld [tilespmem:s24+$0x0]  }
0xa7: {  	s31 =	simm.s32 $0x800;
	s25 =	sor.u32 $0x20, s0;
	s9 =	sor.u32 $0xC800, s9;
	v7 =	vmax.f32 v12, v13;
	v0 =	vmax.f32 v0, v1;
	v1 =	vmax.f32 v4, v6;
	v6 =	vld [tilespmem:s24+$0x80]  }
0xa8: {  	s7 =	sor.u32 s25, s6;
	s14 =	sor.u32 s0, s9;
	s26 =	sor.u32 s1, s9;
	v10 =	vmax.f32 v18, v19;
	v8 =	vmax.f32 v14, v15;
	v9 =	vmax.f32 v16, v17;
	v4 =	vld [tilespmem:s24+$0x100]  }
0xa9: {  	s6 =	sor.u32 s23, s9;
	s0 =	sor.u32 s25, s9;
	s1 =	simm.s32 $0x0;
	[tilespmem:s26+$0x0] =	vst v0;
	v0 =	vmax.f32 v7, v8;
	v8 =	vmax.f32 v9, v10;
	v9 =	vmax.f32 v20, v21;
	v7 =	vld [tilespmem:s24+$0x180]  }
.LBB2_9:
0xaa: {  	s2 =	sand.u32 $0xF000, s31;
	v2 =	vmax.f32 v2, v5;
	v5 =	vld [tilespmem:s7+$0x0];
	s29 =	sadd.s32 $0x40, s29  }
0xab: {  	p2 =	por !p2, !p2;
	s25 =	sand.u32 $0x40, s29;
	s2 =	sshrl.u32 s2, $0x2;
	v2 =	vmax.f32 v9, v2;
	v9 =	vld [tilespmem:s7+$0x80]  }
0xac: {  	s16 =	sor.u32 $0x4000, s2;
	s15 =	sor.u32 $0x30, s25;
	v2 =	vmax.f32 v8, v2;
	v3 =	vmax.f32 v3, v6;
	v6 =	vld [tilespmem:s7+$0x100];
	s2 =	simm.s32 $0x1  }
0xad: {  	s9 =	sor.u32 $0x10, s25;
	s2 =	simm.s32 @!p2 $0x0;
	s5 =	sor.u32 s15, s16;
	[tilespmem:s14+$0x0] =	vst v2;
	v2 =	vld [tilespmem:s7+$0x180]  }
0xae: {  	s1 =	sadd.s32 $0x200, s1;
	s11 =	sor.u32 $0x20, s25;
	s2 =	sshll.u32 s2, $0x6;
	v8 =	vld [tilespmem:s5+$0x0];
	v4 =	vmax.f32 v4, v7  }
0xaf: {  	s26 =	sor.u32 s25, s16;
	s8 =	sor.u32 s9, s16;
	s2 =	sadd.s32 s2, s1;
	v7 =	vld [tilespmem:s5+$0x80];
	v3 =	vmax.f32 v3, v4  }
0xb0: {  	s30 =	sadd.s32 $0x4, s30;
	s7 =	sadd.s32 $0x10, s2;
	v4 =	vld [tilespmem:s5+$0x100];
	s10 =	sadd.s32 $0x30, s2;
	v1 =	vmax.f32 v3, v1;
	v3 =	vmax.f32 v5, v9  }
0xb1: {  	p3 =	slt.u32 s30, $0x7C;
	s12 =	sadd.s32 $0x20, s2;
	v5 =	vld [tilespmem:s5+$0x180];
	s5 =	sor.u32 $0x200, s10;
	[tilespmem:s6+$0x0] =	vst v1  }
0xb2: {  	s6 =	sor.u32 $0x200, s7;
	s13 =	sor.u32 $0x280, s7;
	v1 =	vld [tilespmem:s5+$0x4000];
	s5 =	sor.u32 $0x280, s10;
	v2 =	vmax.f32 v6, v2  }
0xb3: {  	s14 =	sor.u32 $0x300, s7;
	s18 =	sor.u32 $0x380, s7;
	v6 =	vld [tilespmem:s5+$0x4000];
	s5 =	sor.u32 $0x300, s10;
	v2 =	vmax.f32 v3, v2  }
0xb4: {  	s20 =	sor.u32 $0x200, s12;
	s21 =	sor.u32 $0x280, s12;
	v3 =	vld [tilespmem:s5+$0x4000];
	s5 =	sor.u32 $0x380, s10;
	v0 =	vmax.f32 v2, v0  }
0xb5: {  	s23 =	sor.u32 $0x300, s12;
	s12 =	sor.u32 $0x380, s12;
	s10 =	sor.u32 $0x200, s2;
	v2 =	vld [tilespmem:s5+$0x4000];
	[tilespmem:s0+$0x0] =	vst v0  }
0xb6: {  	s24 =	sor.u32 $0x300, s2;
	s5 =	sor.u32 $0x280, s2;
	s2 =	sor.u32 $0x380, s2;
	v0 =	vld [tilespmem:s6+$0x4000]  }
0xb7: {  	s7 =	sor.u32 s11, s16;
	v9 =	vld [tilespmem:s13+$0x4000]  }
0xb8: {  	v10 =	vld [tilespmem:s14+$0x4000]  }
0xb9: {  	v7 =	vmax.f32 v8, v7;
	v11 =	vld [tilespmem:s18+$0x4000]  }
0xba: {  	s0 =	sand.u32 $0x780, s29;
	v4 =	vmax.f32 v4, v5;
	v1 =	vmax.f32 v1, v6;
	v8 =	vld [tilespmem:s20+$0x4000];
	v2 =	vmax.f32 v3, v2  }
0xbb: {  	s0 =	sor.u32 $0xC800, s0;
	v4 =	vmax.f32 v7, v4;
	v3 =	vld [tilespmem:s21+$0x4000];
	v1 =	vmax.f32 v1, v2  }
0xbc: {  	s6 =	sor.u32 s9, s0;
	s9 =	sor.u32 s15, s0;
	s14 =	sor.u32 s25, s0;
	v0 =	vmax.f32 v0, v9;
	v2 =	vld [tilespmem:s23+$0x4000];
	v1 =	vmax.f32 v4, v1  }
0xbd: {  	s0 =	sor.u32 s11, s0;
	v4 =	vld [tilespmem:s12+$0x4000];
	[tilespmem:s9+$0x0] =	vst v1  }
0xbe: {  	v5 =	vld [tilespmem:s26+$0x0];
	v1 =	vmax.f32 v10, v11  }
0xbf: {  	v6 =	vld [tilespmem:s26+$0x80];
	v1 =	vmax.f32 v0, v1  }
0xc0: {  	v7 =	vld [tilespmem:s26+$0x100];
	v0 =	vmax.f32 v8, v3  }
0xc1: {  	v3 =	vld [tilespmem:s26+$0x180]  }
0xc2: {  	v9 =	vld [tilespmem:s10+$0x4000];
	v2 =	vmax.f32 v2, v4  }
0xc3: {  	v4 =	vld [tilespmem:s5+$0x4000];
	v0 =	vmax.f32 v0, v2  }
0xc4: {  	v6 =	vmax.f32 v5, v6;
	v2 =	vld [tilespmem:s24+$0x4000]  }
.Ltmp6:
0xc5: {  	v5 =	vld [tilespmem:s2+$0x4000];
	(pc) =	sbr.rel @p3 .LBB2_9-.Ltmp6, $4  }
0xc6: {  	v7 =	vmax.f32 v7, v3;
	v3 =	vld [tilespmem:s8+$0x0]  }
0xc7: {  	v8 =	vmax.f32 v6, v7;
	v6 =	vld [tilespmem:s8+$0x80]  }
0xc8: {  	v9 =	vmax.f32 v9, v4;
	v4 =	vld [tilespmem:s8+$0x100]  }
0xc9: {  	s31 =	sadd.s32 $0x800, s31;
	v7 =	vld [tilespmem:s8+$0x180]  }
0xca: {  	v10 =	vld [tilespmem:s7+$0x0]  }
0xcb: {  	v11 =	vld [tilespmem:s7+$0x80]  }
0xcc: {  	v12 =	vld [tilespmem:s7+$0x100]  }
0xcd: {  	v13 =	vld [tilespmem:s7+$0x180]  }
0xce: {  	v2 =	vmax.f32 v2, v5  }
0xcf: {  	v2 =	vmax.f32 v9, v2  }
0xd0: {  	v2 =	vmax.f32 v8, v2  }
0xd1: {  	s29 =	smul.u32 $0x1800, s28;
	v3 =	vmax.f32 v3, v6;
	[tilespmem:s14+$0x0] =	vst v2;
	v4 =	vmax.f32 v4, v7  }
.Ltmp7:
0xd2: {  	s1 =	rddreg [dreg:$0x8];
	v3 =	vmax.f32 v3, v4;
	v61 =	vmax.f32 v10, v11;
	v62 =	vmax.f32 v12, v13;
	(pc) =	sbr.rel @p1 .LBB2_12-.Ltmp7, $4  }
0xd3: {  	s1 =	sadd.s32 s29, s1;
	v1 =	vmax.f32 v3, v1;
	v63 =	vmax.f32 v61, v62  }
0xd4: {  	s1 =	sshrl.u32 s1, $0x3;
	[tilespmem:s6+$0x0] =	vst v1;
	v0 =	vmax.f32 v63, v0  }
0xd5: {  	s31 =	simm.s32 $0xC800;
	s30 =	sadd.s32 s3, s1;
	[tilespmem:s0+$0x0] =	vst v0  }
0xd6: {  	[hbm4b:s30+s4] =	stream.linear.scatter [tilespmem:s31], [sflag:$0x5], $0x800, $0x38;
	[tilespmem:$0xD800] =	vst v63  }
.Ltmp8:
0xd7: {  	(pc) =	sbr.rel .LBB2_13-.Ltmp8, $4  }
0xd8: {  	_ = 	snop  }
0xd9: {  	_ =	swait.ge [sflag:s22], $0x4000  }
0xda: {  	[sflag:s22] =	ssyncset.done $0x0  }
0xdb: {  	[sflag:s22] =	ssyncadd.s32 $0xFFFFC000  }
.LBB2_12:
0xdc: {  	s0 =	smul.u32 $0xC000, s28  }
0xdd: {  	s1 =	rddreg [dreg:$0x9]  }
0xde: {  	s0 =	sadd.s32 s0, s1  }
0xdf: {  	s30 =	rddreg [dreg:$0x0];
	s0 =	sshrl.u32 s0, $0x3  }
.Ltmp9:
0xe0: {  	s31 =	simm.s32 $0x4000;
	s0 =	sadd.s32 s30, s0;
	(pc) =	sbr.rel @p0 .LBB2_14-.Ltmp9, $4  }
0xe1: {  	[tilespmem:s31], [sflag:$0x2] =	stream.linear.gather [hbm4b:s0+s4], $0x4000, $0x38;
	[tilespmem:$0xD800] =	vst v63  }
0xe2: {  	_ =	swait.ge [sflag:s22], $0x4000  }
0xe3: {  	[sflag:s22] =	ssyncset.done $0x0  }
0xe4: {  	[sflag:s22] =	ssyncadd.s32 $0xFFFFC000  }
.LBB2_13:
0xe5: {  	s0 =	simm.s32 $0x6  }
0xe6: {  	_ =	swait.ge [sflag:s0], $0x800  }
0xe7: {  	[sflag:s0] =	ssyncset.done $0x0  }
0xe8: {  	[sflag:s0] =	ssyncadd.s32 $0xFFFFF800  }
.LBB2_14:
0xe9: {  	s30 =	simm.s32 $0x0  }
0xea: {  	s1 =	sand.u32 $0xF000, s30  }
0xeb: {  	s0 =	sand.u32 $0x40, s30;
	s1 =	sshrl.u32 s1, $0x2  }
0xec: {  	s6 =	sor.u32 $0x8000, s1;
	s1 =	sor.u32 $0x30, s0  }
0xed: {  	s5 =	sor.u32 s1, s6  }
0xee: {  	v0 =	vld [tilespmem:s5+$0x0]  }
0xef: {  	v1 =	vld [tilespmem:s5+$0x80]  }
0xf0: {  	v2 =	vld [tilespmem:s5+$0x100]  }
0xf1: {  	p0 =	por $0x0, $0x0;
	s2 =	simm.s32 $0x1;
	s15 =	sor.u32 s0, s6;
	v3 =	vld [tilespmem:s5+$0x180]  }
0xf2: {  	s2 =	simm.s32 @!p0 $0x0;
	v16 =	vld [tilespmem:s15+$0x0]  }
0xf3: {  	s2 =	sshll.u32 s2, $0x6;
	v17 =	vld [tilespmem:s15+$0x80]  }
0xf4: {  	s2 =	sadd.s32 $0x0, s2;
	v18 =	vld [tilespmem:s15+$0x100]  }
0xf5: {  	s16 =	sor.u32 $0x200, s2;
	v19 =	vld [tilespmem:s15+$0x180]  }
0xf6: {  	s7 =	sadd.s32 $0x30, s2;
	s17 =	sor.u32 $0x280, s2;
	v20 =	vld [tilespmem:s16+$0x8000]  }
0xf7: {  	s23 =	sor.u32 $0x200, s7;
	v21 =	vld [tilespmem:s17+$0x8000]  }
0xf8: {  	s24 =	sor.u32 $0x280, s7;
	v4 =	vld [tilespmem:s23+$0x8000]  }
0xf9: {  	s25 =	sor.u32 $0x300, s7;
	v5 =	vld [tilespmem:s24+$0x8000]  }
0xfa: {  	s8 =	sadd.s32 $0x10, s2;
	s26 =	sor.u32 $0x380, s7;
	v6 =	vld [tilespmem:s25+$0x8000]  }
0xfb: {  	s3 =	sor.u32 $0x200, s8;
	v7 =	vld [tilespmem:s26+$0x8000]  }
0xfc: {  	s9 =	sor.u32 $0x280, s8;
	v8 =	vld [tilespmem:s3+$0x8000]  }
0xfd: {  	s10 =	sor.u32 $0x300, s8;
	v9 =	vld [tilespmem:s9+$0x8000]  }
0xfe: {  	s11 =	sadd.s32 $0x20, s2;
	s8 =	sor.u32 $0x380, s8;
	v10 =	vld [tilespmem:s10+$0x8000]  }
0xff: {  	s12 =	sor.u32 $0x200, s11;
	v11 =	vld [tilespmem:s8+$0x8000]  }
0x100: {  	s13 =	sor.u32 $0x280, s11;
	v12 =	vld [tilespmem:s12+$0x8000]  }
0x101: {  	s14 =	sor.u32 $0x300, s11;
	v13 =	vld [tilespmem:s13+$0x8000]  }
0x102: {  	s5 =	sor.u32 $0x380, s11;
	v14 =	vld [tilespmem:s14+$0x8000]  }
0x103: {  	s18 =	sor.u32 $0x300, s2;
	v15 =	vld [tilespmem:s5+$0x8000]  }
0x104: {  	s20 =	sor.u32 $0x10, s0;
	s2 =	sor.u32 $0x380, s2;
	v0 =	vmax.f32 v0, v1;
	v1 =	vmax.f32 v2, v3;
	v2 =	vld [tilespmem:s18+$0x8000]  }
0x105: {  	s21 =	sor.u32 s20, s6;
	v3 =	vmax.f32 v4, v5;
	v4 =	vmax.f32 v6, v7;
	v0 =	vmax.f32 v0, v1;
	v5 =	vld [tilespmem:s2+$0x8000]  }
0x106: {  	s23 =	sor.u32 $0x20, s0;
	s9 =	sand.u32 $0x780, s30;
	v6 =	vmax.f32 v10, v11;
	v1 =	vmax.f32 v3, v4;
	v4 =	vmax.f32 v8, v9;
	v3 =	vld [tilespmem:s21+$0x0]  }
0x107: {  	s31 =	simm.s32 $0x0;
	s8 =	sor.u32 s23, s6;
	s24 =	sor.u32 $0xD000, s9;
	v7 =	vmax.f32 v12, v13;
	v0 =	vmax.f32 v0, v1;
	v1 =	vmax.f32 v4, v6;
	v6 =	vld [tilespmem:s21+$0x80]  }
0x108: {  	s25 =	sor.u32 s0, s24;
	s7 =	sor.u32 s20, s24;
	s26 =	sor.u32 s1, s24;
	v10 =	vmax.f32 v18, v19;
	v8 =	vmax.f32 v14, v15;
	v9 =	vmax.f32 v16, v17;
	v4 =	vld [tilespmem:s21+$0x100]  }
0x109: {  	s6 =	sor.u32 s23, s24;
	s1 =	simm.s32 $0x800;
	s0 =	simm.s32 $0x0;
	[tilespmem:s26+$0x0] =	vst v0;
	v0 =	vmax.f32 v7, v8;
	v8 =	vmax.f32 v9, v10;
	v9 =	vmax.f32 v20, v21;
	v7 =	vld [tilespmem:s21+$0x180]  }
.LBB2_15:
0x10a: {  	s2 =	sand.u32 $0xF000, s1;
	v2 =	vmax.f32 v2, v5;
	v5 =	vld [tilespmem:s8+$0x0];
	s30 =	sadd.s32 $0x40, s30  }
0x10b: {  	p0 =	por !p0, !p0;
	s26 =	sand.u32 $0x40, s30;
	s2 =	sshrl.u32 s2, $0x2;
	v2 =	vmax.f32 v9, v2;
	v9 =	vld [tilespmem:s8+$0x80]  }
0x10c: {  	s18 =	sor.u32 $0x8000, s2;
	s15 =	sor.u32 $0x30, s26;
	v2 =	vmax.f32 v8, v2;
	v3 =	vmax.f32 v3, v6;
	v6 =	vld [tilespmem:s8+$0x100];
	s2 =	simm.s32 $0x1  }
0x10d: {  	s11 =	sor.u32 $0x10, s26;
	s2 =	simm.s32 @!p0 $0x0;
	s5 =	sor.u32 s15, s18;
	[tilespmem:s25+$0x0] =	vst v2;
	v2 =	vld [tilespmem:s8+$0x180]  }
0x10e: {  	s0 =	sadd.s32 $0x200, s0;
	s16 =	sor.u32 $0x20, s26;
	s2 =	sshll.u32 s2, $0x6;
	v8 =	vld [tilespmem:s5+$0x0];
	v4 =	vmax.f32 v4, v7  }
0x10f: {  	s9 =	sor.u32 s26, s18;
	s14 =	sor.u32 s11, s18;
	s2 =	sadd.s32 s2, s0;
	v7 =	vld [tilespmem:s5+$0x80];
	v3 =	vmax.f32 v3, v4  }
0x110: {  	s31 =	sadd.s32 $0x4, s31;
	s8 =	sadd.s32 $0x10, s2;
	v4 =	vld [tilespmem:s5+$0x100];
	s10 =	sadd.s32 $0x30, s2;
	v1 =	vmax.f32 v3, v1;
	v3 =	vmax.f32 v5, v9  }
0x111: {  	p1 =	slt.u32 s31, $0x7C;
	s12 =	sadd.s32 $0x20, s2;
	v5 =	vld [tilespmem:s5+$0x180];
	s5 =	sor.u32 $0x200, s10;
	[tilespmem:s7+$0x0] =	vst v1  }
0x112: {  	s7 =	sor.u32 $0x200, s8;
	s13 =	sor.u32 $0x280, s8;
	v1 =	vld [tilespmem:s5+$0x8000];
	s5 =	sor.u32 $0x280, s10;
	v2 =	vmax.f32 v6, v2  }
0x113: {  	s20 =	sor.u32 $0x300, s8;
	s21 =	sor.u32 $0x380, s8;
	v6 =	vld [tilespmem:s5+$0x8000];
	s5 =	sor.u32 $0x300, s10;
	v2 =	vmax.f32 v3, v2  }
0x114: {  	s23 =	sor.u32 $0x200, s12;
	s24 =	sor.u32 $0x280, s12;
	v3 =	vld [tilespmem:s5+$0x8000];
	s5 =	sor.u32 $0x380, s10;
	v0 =	vmax.f32 v2, v0  }
0x115: {  	s3 =	sor.u32 $0x300, s12;
	s12 =	sor.u32 $0x380, s12;
	s10 =	sor.u32 $0x200, s2;
	v2 =	vld [tilespmem:s5+$0x8000];
	[tilespmem:s6+$0x0] =	vst v0  }
0x116: {  	s17 =	sor.u32 $0x300, s2;
	s5 =	sor.u32 $0x280, s2;
	s2 =	sor.u32 $0x380, s2;
	v0 =	vld [tilespmem:s7+$0x8000]  }
0x117: {  	s8 =	sor.u32 s16, s18;
	v9 =	vld [tilespmem:s13+$0x8000]  }
0x118: {  	v10 =	vld [tilespmem:s20+$0x8000]  }
0x119: {  	v7 =	vmax.f32 v8, v7;
	v11 =	vld [tilespmem:s21+$0x8000]  }
0x11a: {  	s6 =	sand.u32 $0x780, s30;
	v4 =	vmax.f32 v4, v5;
	v1 =	vmax.f32 v1, v6;
	v8 =	vld [tilespmem:s23+$0x8000];
	v2 =	vmax.f32 v3, v2  }
0x11b: {  	s6 =	sor.u32 $0xD000, s6;
	v4 =	vmax.f32 v7, v4;
	v3 =	vld [tilespmem:s24+$0x8000];
	v1 =	vmax.f32 v1, v2  }
0x11c: {  	s25 =	sor.u32 s26, s6;
	s7 =	sor.u32 s11, s6;
	v0 =	vmax.f32 v0, v9;
	v2 =	vld [tilespmem:s3+$0x8000];
	v1 =	vmax.f32 v4, v1;
	s3 =	sor.u32 s15, s6  }
0x11d: {  	s6 =	sor.u32 s16, s6;
	v4 =	vld [tilespmem:s12+$0x8000];
	[tilespmem:s3+$0x0] =	vst v1  }
0x11e: {  	v5 =	vld [tilespmem:s9+$0x0];
	v1 =	vmax.f32 v10, v11  }
0x11f: {  	v6 =	vld [tilespmem:s9+$0x80];
	v1 =	vmax.f32 v0, v1  }
0x120: {  	v7 =	vld [tilespmem:s9+$0x100];
	v0 =	vmax.f32 v8, v3  }
0x121: {  	v3 =	vld [tilespmem:s9+$0x180]  }
0x122: {  	v9 =	vld [tilespmem:s10+$0x8000];
	v2 =	vmax.f32 v2, v4  }
0x123: {  	v4 =	vld [tilespmem:s5+$0x8000];
	v0 =	vmax.f32 v0, v2  }
0x124: {  	v6 =	vmax.f32 v5, v6;
	v2 =	vld [tilespmem:s17+$0x8000]  }
.Ltmp10:
0x125: {  	v5 =	vld [tilespmem:s2+$0x8000];
	(pc) =	sbr.rel @p1 .LBB2_15-.Ltmp10, $4  }
0x126: {  	v7 =	vmax.f32 v7, v3;
	v3 =	vld [tilespmem:s14+$0x0]  }
0x127: {  	v8 =	vmax.f32 v6, v7;
	v6 =	vld [tilespmem:s14+$0x80]  }
0x128: {  	v9 =	vmax.f32 v9, v4;
	v4 =	vld [tilespmem:s14+$0x100]  }
0x129: {  	s1 =	sadd.s32 $0x800, s1;
	v7 =	vld [tilespmem:s14+$0x180]  }
0x12a: {  	v10 =	vld [tilespmem:s8+$0x0]  }
0x12b: {  	v11 =	vld [tilespmem:s8+$0x80]  }
0x12c: {  	v12 =	vld [tilespmem:s8+$0x100]  }
0x12d: {  	v13 =	vld [tilespmem:s8+$0x180]  }
0x12e: {  	v2 =	vmax.f32 v2, v5  }
0x12f: {  	v2 =	vmax.f32 v9, v2  }
0x130: {  	v2 =	vmax.f32 v8, v2  }
0x131: {  	p0 =	seq.s32 s28, $0xA;
	v3 =	vmax.f32 v3, v6;
	[tilespmem:s25+$0x0] =	vst v2;
	v4 =	vmax.f32 v4, v7  }
.Ltmp11:
0x132: {  	s0 =	rddreg [dreg:$0xa];
	v3 =	vmax.f32 v3, v4;
	v61 =	vmax.f32 v10, v11;
	v62 =	vmax.f32 v12, v13;
	(pc) =	sbr.rel @p0 .LBB2_18-.Ltmp11, $4  }
0x133: {  	s0 =	sadd.s32 s29, s0;
	v1 =	vmax.f32 v3, v1;
	v63 =	vmax.f32 v61, v62  }
0x134: {  	s3 =	rddreg [dreg:$0x1];
	s0 =	sshrl.u32 s0, $0x3;
	[tilespmem:s7+$0x0] =	vst v1;
	v0 =	vmax.f32 v63, v0  }
0x135: {  	s1 =	simm.s32 $0xD000;
	s0 =	sadd.s32 s3, s0;
	[tilespmem:s6+$0x0] =	vst v0  }
0x136: {  	[hbm4b:s0+s4] =	stream.linear.scatter [tilespmem:s1], [sflag:$0x6], $0x800, $0x38;
	[tilespmem:$0xD800] =	vst v63  }
0x137: {  	s0 =	smul.u32 $0xC000, s28  }
.Ltmp12:
0x138: {  	s1 =	rddreg [dreg:$0xb];
	(pc) =	sbr.rel .LBB2_2-.Ltmp12, $4  }
0x139: {  	s0 =	sadd.s32 s0, s1  }
0x13a: {  	s30 =	rddreg [dreg:$0x0];
	s0 =	sshrl.u32 s0, $0x3  }
0x13b: {  	s31 =	simm.s32 $0x8000;
	s28 =	sadd.s32 $0x1, s28;
	s0 =	sadd.s32 s30, s0  }
0x13c: {  	[tilespmem:s31], [sflag:$0x3] =	stream.linear.gather [hbm4b:s0+s4], $0x4000, $0x38;
	[tilespmem:$0xD800] =	vst v63  }
.LBB2_19:
0x13d: {  	_ =	sfence.sel $0x180000  }
0x13e: {  	[bflag:$0x0] =	sbarrier.arrive $0xFFFF  }
0x13f: {  	_ =	strace $0x90000047  }
0x140: {  	s0 =	stileid.u32;
	[bflag:$0x2] =	sbarrier.arrive $0xFFFF  }
0x141: {  	p0 =	sne.s32 s0, $0x0;
	s0 =	rddreg [dreg:$0x2]  }
0x142: {  	s0 =	sadd.s32 @!p0 $0x100000, s0  }
0x143: {  	[sflag:s0] =	ssyncadd.tile.s32 @!p0 $0x1;
	_ =	shalt  }
.Lfunc_end2:
_tile_overlayer_lowered:
.L_overlay_start_2:
0x144: {  	(tag) =	ssettag $0x2  }
0x145: {  	s0 =	rddreg [dreg:$0x0];
	s2 =	stileid.u32  }
0x146: {  	s1 =	rddreg [dreg:$0x1];
	p0 =	sne.s32 s2, $0x0  }
0x147: {  	s3 =	rddreg [dreg:$0x2];
	[bflag:$0x3] =	sbarrier.arrive $0xFFFF;
	s2 =	simm.s32 @!p0 $0x1C07  }
0x148: {  	[timem:s3], [sflag:s2] =	dma.local @!p0 [hbm:s0], s1  }
0x149: {  	s0 =	simm.s32 @!p0 $0x7  }
0x14a: {  	_ =	swait.ge @!p0 [sflag:s0], s1  }
0x14b: {  	s1 =	ssub.s32 @!p0 $0x0, s1;
	[sflag:s0] =	ssyncset.done @!p0 $0x0  }
0x14c: {  	[sflag:s0] =	ssyncadd.s32 @!p0 s1  }
0x14d: {  	[bflag:$0x3] =	sbarrier.arrive $0xFFFF  }
0x14e: {  	_ =	shalt  }

</sc_bundles>
